<compile_context>
chip_gen: v7x
topology: tpu7x:2x2x1
jax: 0.10.2.dev20260603
libtpu: 0.0.44.dev20260713+nightly
codegen_flags: <defaults>
</compile_context>

<pallas_src>
import functools

import jax
import jax.numpy as jnp
from jax import lax
from jax.experimental import pallas as pl
from jax.experimental.pallas import tpu as pltpu
from jax.experimental.pallas import tpu_sc as plsc

B = 2
T = 12
N = 50000
C = 32
HW = 4096
FD = 64
GRID_CH = 16

NSUB = 16
CHUNK = 112
NCH = (N + CHUNK - 1) // CHUNK
TAIL = N - (NCH - 1) * CHUNK
CH_PER_SUB = (NCH + NSUB - 1) // NSUB
PADN = NCH * CHUNK
NPH = 3
TPH = T // NPH
RW = TPH * C
ROWS_PER_SUB = HW // NSUB
ZROWS = 64
DUMMY = HW
BIG = 1 << 27


def _sc_scatter(lat_pad, lon_pad, graph_ph):

    mesh = plsc.VectorSubcoreMesh(core_axis_name="c", subcore_axis_name="s")

    @functools.partial(
        pl.kernel,
        mesh=mesh,
        out_type=jax.ShapeDtypeStruct((B * NPH * HW, RW), jnp.float32),
        scratch_types=[
            pltpu.VMEM((ZROWS, RW), jnp.float32),
            pltpu.VMEM((CHUNK,), jnp.float32),
            pltpu.VMEM((CHUNK,), jnp.float32),
            pltpu.VMEM((CH_PER_SUB, 128), jnp.int32),
            pltpu.VMEM((128, RW), jnp.float32),
            pltpu.VMEM_SHARED((HW + 8, RW), jnp.float32),
        ],
    )
    def scatter_kernel(lat_hbm, lon_hbm, graph_hbm, out_hbm,
                       zbuf, latv, lonv, idxv, rowsv, accum):
        c = lax.axis_index("c")
        s = lax.axis_index("s")
        iota16 = lax.iota(jnp.int32, 16)
        zeros16 = jnp.zeros((16,), jnp.float32)
        dummy16 = jnp.full((16,), DUMMY, jnp.int32)

        def _zrow(i, carry):
            def _z16(k, carry2):
                zbuf[i, pl.ds(k * 16, 16)] = zeros16
                return carry2
            lax.fori_loop(0, RW // 16, _z16, 0)
            return carry
        lax.fori_loop(0, ZROWS, _zrow, 0)

        def _zero_slice():
            def _zcopy(r, carry):
                pltpu.sync_copy(
                    zbuf,
                    accum.at[pl.ds(s * ROWS_PER_SUB + r * ZROWS, ZROWS)])
                return carry
            lax.fori_loop(0, ROWS_PER_SUB // ZROWS, _zcopy, 0)

        _zero_slice()

        def _cells(jj, carry):
            j = jj * NSUB + s

            @pl.when(j < NCH)
            def _():
                pltpu.sync_copy(lat_hbm.at[pl.ds(c * PADN + j * CHUNK, CHUNK)],
                                latv)
                pltpu.sync_copy(lon_hbm.at[pl.ds(c * PADN + j * CHUNK, CHUNK)],
                                lonv)

                def _grp(k, carry2):
                    la = latv[pl.ds(k * 16, 16)]
                    lo = lonv[pl.ds(k * 16, 16)]
                    li = jnp.clip((la * 64.0).astype(jnp.int32), 0, 63)
                    loi = jnp.clip((lo * 64.0).astype(jnp.int32), 0, 63)
                    cell = li * 64 + loi
                    pos = j * CHUNK + k * 16 + iota16
                    cell = jnp.where(pos < N, cell, BIG)
                    idxv[jj, pl.ds(k * 16, 16)] = jnp.minimum(cell, DUMMY)
                    return carry2
                lax.fori_loop(0, CHUNK // 16, _grp, 0)
                idxv[jj, pl.ds(CHUNK, 16)] = dummy16
            return carry
        lax.fori_loop(0, CH_PER_SUB, _cells, 0)
        plsc.subcore_barrier()

        def _phase(p, carry):
            def _chunk(jj, carry2):
                j = jj * NSUB + s

                @pl.when(j < NCH - 1)
                def _():
                    pltpu.sync_copy(
                        graph_hbm.at[c, p, pl.ds(j * CHUNK, CHUNK)],
                        rowsv.at[pl.ds(0, CHUNK)])

                @pl.when(j == NCH - 1)
                def _():
                    pltpu.sync_copy(
                        graph_hbm.at[c, p, pl.ds((NCH - 1) * CHUNK, TAIL)],
                        rowsv.at[pl.ds(0, TAIL)])

                @pl.when(j < NCH)
                def _():
                    pltpu.sync_copy(rowsv, accum.at[idxv.at[jj]], add=True)
                return carry2
            lax.fori_loop(0, CH_PER_SUB, _chunk, 0)

            plsc.subcore_barrier()
            pltpu.sync_copy(
                accum.at[pl.ds(s * ROWS_PER_SUB, ROWS_PER_SUB)],
                out_hbm.at[pl.ds((c * NPH + p) * HW + s * ROWS_PER_SUB,
                                 ROWS_PER_SUB)])
            _zero_slice()
            plsc.subcore_barrier()
            return carry
        lax.fori_loop(0, NPH, _phase, 0)

    return scatter_kernel(lat_pad, lon_pad, graph_ph)


def _proj(interp128, grid64, tt, wg_ref, bg_ref, wr_ref, br_ref):
    interp = interp128[:, tt * C:(tt + 1) * C]
    grid = grid64[tt * GRID_CH:(tt + 1) * GRID_CH, :]
    y1 = lax.dot_general(wg_ref[...], interp, (((1,), (1,)), ((), ())),
                         preferred_element_type=jnp.float32)
    y1 = y1 + jnp.reshape(bg_ref[...], (FD // 2, 1))
    y2 = lax.dot_general(wr_ref[...], grid, (((1,), (0,)), ((), ())),
                         preferred_element_type=jnp.float32)
    y2 = y2 + jnp.reshape(br_ref[...], (FD // 2, 1))
    return y1, y2


def _stats_body(interp_ref, grid_ref, wg_ref, bg_ref, wr_ref, br_ref,
                out_ref, acc):
    i = pl.program_id(0)

    @pl.when(i == 0)
    def _():
        acc[...] = jnp.zeros_like(acc)

    interp128 = interp_ref[0, 0]
    grid64 = grid_ref[0]
    for tt in range(TPH):
        y1, y2 = _proj(interp128, grid64, tt, wg_ref, bg_ref, wr_ref, br_ref)
        s1 = jnp.reshape(jnp.sum(y1, axis=1), (1, FD // 2))
        q1 = jnp.reshape(jnp.sum(y1 * y1, axis=1), (1, FD // 2))
        s2 = jnp.reshape(jnp.sum(y2, axis=1), (1, FD // 2))
        q2 = jnp.reshape(jnp.sum(y2 * y2, axis=1), (1, FD // 2))
        sums = jnp.concatenate([s1, s2], axis=1)
        sqs = jnp.concatenate([q1, q2], axis=1)
        acc[...] += jnp.concatenate([sums, sqs], axis=0)
    out_ref[...] = acc[...]


def _stats_call(interp4, grid6, wg, bg2, wr, br2, interpret=False):
    return pl.pallas_call(
        _stats_body,
        grid=(B * NPH,),
        in_specs=[
            pl.BlockSpec((1, 1, HW, RW), lambda i: (i // NPH, i % NPH, 0, 0)),
            pl.BlockSpec((1, TPH * GRID_CH, HW), lambda i: (i, 0, 0)),
            pl.BlockSpec((FD // 2, C), lambda i: (0, 0)),
            pl.BlockSpec((1, FD // 2), lambda i: (0, 0)),
            pl.BlockSpec((FD // 2, GRID_CH), lambda i: (0, 0)),
            pl.BlockSpec((1, FD // 2), lambda i: (0, 0)),
        ],
        out_specs=pl.BlockSpec((2, FD), lambda i: (0, 0)),
        out_shape=jax.ShapeDtypeStruct((2, FD), jnp.float32),
        scratch_shapes=[pltpu.VMEM((2, FD), jnp.float32)],
        interpret=interpret,
    )(interp4, grid6, wg, bg2, wr, br2)


def _norm_body(stats_ref, interp_ref, grid_ref, wg_ref, bg_ref, wr_ref,
               br_ref, bnw_ref, bnb_ref, out_ref):
    pcount = float(B * T * HW)
    st = stats_ref[...]
    mean = st[0:1, :] / pcount
    var = st[1:2, :] / pcount - mean * mean
    scale = bnw_ref[...] * lax.rsqrt(var + 1e-5)
    shift = bnb_ref[...] - mean * scale
    scale_c = jnp.reshape(scale, (FD, 1))
    shift_c = jnp.reshape(shift, (FD, 1))
    interp128 = interp_ref[0, 0]
    grid64 = grid_ref[0]
    for tt in range(TPH):
        y1, y2 = _proj(interp128, grid64, tt, wg_ref, bg_ref, wr_ref, br_ref)
        y = jnp.concatenate([y1, y2], axis=0)
        out_ref[tt] = y * scale_c + shift_c


def _norm_call(stats, interp4, grid6, wg, bg2, wr, br2, bnw2, bnb2,
               interpret=False):
    return pl.pallas_call(
        _norm_body,
        grid=(B * NPH,),
        in_specs=[
            pl.BlockSpec((2, FD), lambda i: (0, 0)),
            pl.BlockSpec((1, 1, HW, RW), lambda i: (i // NPH, i % NPH, 0, 0)),
            pl.BlockSpec((1, TPH * GRID_CH, HW), lambda i: (i, 0, 0)),
            pl.BlockSpec((FD // 2, C), lambda i: (0, 0)),
            pl.BlockSpec((1, FD // 2), lambda i: (0, 0)),
            pl.BlockSpec((FD // 2, GRID_CH), lambda i: (0, 0)),
            pl.BlockSpec((1, FD // 2), lambda i: (0, 0)),
            pl.BlockSpec((1, FD), lambda i: (0, 0)),
            pl.BlockSpec((1, FD), lambda i: (0, 0)),
        ],
        out_specs=pl.BlockSpec((TPH, FD, HW), lambda i: (i, 0, 0)),
        out_shape=jax.ShapeDtypeStruct((B * T, FD, HW), jnp.float32),
        interpret=interpret,
    )(stats, interp4, grid6, wg, bg2, wr, br2, bnw2, bnb2)


def kernel(graph_data, grid_data, lat_lon_coords, graph_time_indices,
           grid_time_indices, Wg, bg, Wr, br, bn_weight, bn_bias):
    del graph_time_indices, grid_time_indices
    lat = jnp.pad(lat_lon_coords[..., 0], ((0, 0), (0, PADN - N))).reshape(-1)
    lon = jnp.pad(lat_lon_coords[..., 1], ((0, 0), (0, PADN - N))).reshape(-1)

    graph_ph = (graph_data.reshape(B, NPH, TPH, N, C)
                .transpose(0, 1, 3, 2, 4)
                .reshape(B, NPH, N, RW))

    interp_raw = _sc_scatter(lat, lon, graph_ph)
    interp4 = interp_raw.reshape(B, NPH, HW, RW)
    grid6 = grid_data.reshape(B * NPH, TPH * GRID_CH, HW)

    bg2 = bg.reshape(1, FD // 2)
    br2 = br.reshape(1, FD // 2)
    bnw2 = bn_weight.reshape(1, FD)
    bnb2 = bn_bias.reshape(1, FD)

    stats = _stats_call(interp4, grid6, Wg, bg2, Wr, br2)
    out24 = _norm_call(stats, interp4, grid6, Wg, bg2, Wr, br2, bnw2, bnb2)
    return out24.reshape(B, T, FD, 64, 64)

# --- scband reference (transcript-rebuilt; emitter-appended) ---
"""Pipeline reference for scband-graph2-grid-34815004901542 (READ-ONLY COPY).

The authoritative reference and input builder live on the scoring server;
editing this copy changes nothing except your own understanding.
"""

import jax, jax.numpy as jnp
import numpy as np

H, W = 64, 64
FD = 64
GRAPH_FEAT = 32
GRID_CH = 16


def setup_inputs(seed: int = 0) -> dict:
    key = jax.random.key(seed)
    ks = jax.random.split(key, 8)
    graph_data = jax.random.normal(ks[0], (2, 12, 50000, 32), dtype=jnp.float32)
    grid_data = jax.random.normal(ks[1], (2, 12, 16, 64, 64), dtype=jnp.float32)
    lat_lon_coords = jax.random.uniform(ks[2], (2, 50000, 2), dtype=jnp.float32)
    graph_time_indices = jnp.arange(24, dtype=jnp.int64 if jax.config.jax_enable_x64 else jnp.int32).reshape(2, 12)
    grid_time_indices = jnp.arange(24, dtype=jnp.int64 if jax.config.jax_enable_x64 else jnp.int32).reshape(2, 12)
    lim_g = 1.0 / np.sqrt(GRAPH_FEAT)
    Wg = jax.random.uniform(ks[3], (FD // 2, GRAPH_FEAT), minval=-lim_g, maxval=lim_g, dtype=jnp.float32)
    bg = jax.random.uniform(ks[4], (FD // 2,), minval=-lim_g, maxval=lim_g, dtype=jnp.float32)
    lim_r = 1.0 / np.sqrt(GRID_CH)
    Wr = jax.random.uniform(ks[5], (FD // 2, GRID_CH), minval=-lim_r, maxval=lim_r, dtype=jnp.float32)
    br = jax.random.uniform(ks[6], (FD // 2,), minval=-lim_r, maxval=lim_r, dtype=jnp.float32)
    bn_weight = jnp.ones((FD,), dtype=jnp.float32)
    bn_bias = jnp.zeros((FD,), dtype=jnp.float32)
    return {"graph_data": graph_data, "grid_data": grid_data, "lat_lon_coords": lat_lon_coords,
            "graph_time_indices": graph_time_indices, "grid_time_indices": grid_time_indices,
            "Wg": Wg, "bg": bg, "Wr": Wr, "br": br, "bn_weight": bn_weight, "bn_bias": bn_bias}


def _interpolate_to_grid(graph_data, lat_lon_coords, Hh, Ww):
    B, T, N, C = graph_data.shape
    lat = jnp.clip((lat_lon_coords[..., 0] * Hh).astype(jnp.int32), 0, Hh - 1)
    lon = jnp.clip((lat_lon_coords[..., 1] * Ww).astype(jnp.int32), 0, Ww - 1)
    idx = lat * Ww + lon  # [B, N]

    def per_batch(gd_b, idx_b):
        # gd_b: [T, N, C] -> scatter-add over nodes into H*W cells
        flat = jnp.transpose(gd_b, (1, 0, 2)).reshape(N, T * C)
        seg = jax.ops.segment_sum(flat, idx_b, num_segments=Hh * Ww)
        return jnp.transpose(seg.reshape(Hh * Ww, T, C), (1, 2, 0)).reshape(T, C, Hh, Ww)

    return jax.vmap(per_batch)(graph_data, idx)  # [B, T, C, H, W]


def reference(graph_data, grid_data, lat_lon_coords, graph_time_indices, grid_time_indices, Wg, bg, Wr, br, bn_weight, bn_bias):
    B, T, N, C = graph_data.shape
    _, _, Cg, Hh, Ww = grid_data.shape
    # ode_model = identity, then permute to channels-last
    grid_ode = jnp.transpose(grid_data, (0, 1, 3, 4, 2))  # [B, T, H, W, Cg]
    interp = _interpolate_to_grid(graph_data, lat_lon_coords, Hh, Ww)  # [B, T, C, H, W]
    interp = jnp.transpose(interp, (0, 1, 3, 4, 2))  # [B, T, H, W, C]
    interp = interp @ Wg.T + bg  # [B, T, H, W, FD/2]
    interp = jnp.transpose(interp, (0, 1, 4, 2, 3))  # [B, T, FD/2, H, W]
    grid_ode = grid_ode @ Wr.T + br
    grid_ode = jnp.transpose(grid_ode, (0, 1, 4, 2, 3))  # [B, T, FD/2, H, W]
    combined = jnp.concatenate([interp, grid_ode], axis=2)  # [B, T, FD, H, W]
    x = jnp.transpose(combined, (0, 2, 1, 3, 4))  # [B, FD, T, H, W]
    # BatchNorm3d in training mode: batch statistics over (B, T, H, W)
    mean = jnp.mean(x, axis=(0, 2, 3, 4), keepdims=True)
    var = jnp.var(x, axis=(0, 2, 3, 4), keepdims=True)
    x = (x - mean) / jnp.sqrt(var + 1e-5)
    x = x * bn_weight.reshape(1, -1, 1, 1, 1) + bn_bias.reshape(1, -1, 1, 1, 1)
    return jnp.transpose(x, (0, 2, 1, 3, 4))  # [B, T, FD, H, W]

if __name__ == "__main__":
    import jax
    _d = setup_inputs()
    print(jax.jit(kernel)(*tuple(_d.values())))

</pallas_src>

<mosaic_0001>
#map = affine_map<(d0, d1) -> (0)>
#map1 = affine_map<(d0, d1) -> (0, 0, 0, 0)>
#map2 = affine_map<(d0, d1) -> (0, 0)>
module attributes {stable_mosaic.version = 14 : i64} {
  func.func @scatter_kernel(%arg0: i32, %arg1: i32, %arg2: memref<100128xf32, #tpu.memory_space<hbm>>, %arg3: memref<100128xf32, #tpu.memory_space<hbm>>, %arg4: memref<2x3x50000x128xf32, #tpu.memory_space<hbm>>, %arg5: memref<24576x128xf32, #tpu.memory_space<hbm>>, %arg6: memref<64x128xf32, #tpu.memory_space<vmem>>, %arg7: memref<112xf32, #tpu.memory_space<vmem>>, %arg8: memref<112xf32, #tpu.memory_space<vmem>>, %arg9: memref<28x128xi32, #tpu.memory_space<vmem>>, %arg10: memref<128x128xf32, #tpu.memory_space<vmem>>, %arg11: memref<4104x128xf32, #tpu.memory_space<vmem_shared>>) attributes {dimension_semantics = [#tpu.dimension_semantics<core_parallel>, #tpu.dimension_semantics<subcore_parallel>], iteration_bounds = array<i64: 2, 16>, scalar_prefetch = 0 : i64, scratch_operands = 6 : i64, tpu.core_type = #tpu.core_type<sc_vector_subcore>, window_params = [{transform_indices = #map}, {transform_indices = #map}, {transform_indices = #map1}, {transform_indices = #map2}]} {
    %iota3A = tpu.iota {dimensions = array<i32: 0>} : vector<16xi32>
    %broadcast_in_dim3A = arith.constant 0.000000e+00 : f32
    %broadcast_in_dim3A_0 = vector.broadcast %broadcast_in_dim3A : f32 to vector<16xf32>
    %broadcast_in_dim3A_1 = arith.constant 4096 : i32
    %broadcast_in_dim3A_2 = vector.broadcast %broadcast_in_dim3A_1 : i32 to vector<16xi32>
    %scan3A = arith.constant 0 : i32
    %scan3A_3 = arith.constant 0 : i32
    %scan3A_4 = arith.constant 64 : i32
    %scan3A_5 = arith.addi %scan3A_3, %scan3A_4 : i32
    %scan3A_6 = arith.constant 1 : i32
    scf.for %scan3A_26 = %scan3A_3 to %scan3A_5 step %scan3A_6  : i32 {
      %scan3A_27 = arith.constant 0 : i32
      %scan3A_28 = arith.constant 0 : i32
      %scan3A_29 = arith.constant 8 : i32
      %scan3A_30 = arith.addi %scan3A_28, %scan3A_29 : i32
      %scan3A_31 = arith.constant 1 : i32
      scf.for %scan3A_33 = %scan3A_28 to %scan3A_30 step %scan3A_31  : i32 {
        %mul3A = arith.constant 16 : i32
        %mul3A_34 = arith.muli %scan3A_33, %mul3A : i32
        %swap3A = arith.index_cast %scan3A_26 : i32 to index
        %swap3A_35 = arith.index_cast %mul3A_34 : i32 to index
        %swap3A_36 = tpu.vector_load %arg6[%swap3A, %swap3A_35] {strides = array<i32>} : memref<64x128xf32, #tpu.memory_space<vmem>>, vector<1x16xf32>,
        %swap3A_37 = vector.shape_cast %swap3A_36 : vector<1x16xf32> to vector<16xf32>
        %swap3A_38 = vector.shape_cast %broadcast_in_dim3A_0 : vector<16xf32> to vector<1x16xf32>
        tpu.vector_store %arg6[%swap3A, %swap3A_35], %swap3A_38 {strides = array<i32>} : memref<64x128xf32, #tpu.memory_space<vmem>>, vector<1x16xf32>,
      }
      %scan3A_32 = arith.constant 8 : i32
    }
    %scan3A_7 = arith.constant 64 : i32
    %scan3A_8 = arith.constant 0 : i32
    %scan3A_9 = arith.constant 0 : i32
    %scan3A_10 = arith.constant 4 : i32
    %scan3A_11 = arith.addi %scan3A_9, %scan3A_10 : i32
    %scan3A_12 = arith.constant 1 : i32
    scf.for %scan3A_26 = %scan3A_9 to %scan3A_11 step %scan3A_12  : i32 {
      %mul3A = arith.constant 256 : i32
      %mul3A_27 = arith.muli %arg1, %mul3A : i32
      %mul3A_28 = arith.constant 64 : i32
      %mul3A_29 = arith.muli %scan3A_26, %mul3A_28 : i32
      %add3A = arith.addi %mul3A_27, %mul3A_29 : i32
      "tpu.region"() ({
        %run_scoped3A = tpu.sem_alloc : memref<!tpu.dma_semaphore, #tpu.memory_space<semaphore_mem>>
        %dma_start3A = arith.constant 0 : i32
        %dma_start3A_30 = tpu.memref_slice %arg11[%add3A, %dma_start3A] : memref<4104x128xf32, #tpu.memory_space<vmem_shared>> -> memref<64x128xf32, #tpu.memory_space<vmem_shared>>
        %dma_start3A_31 = arith.constant 0 : i32
        %dma_start3A_32 = tpu.memref_slice %arg11[%add3A, %dma_start3A_31] : memref<4104x128xf32, #tpu.memory_space<vmem_shared>> -> memref<64x128xf32, #tpu.memory_space<vmem_shared>>
        tpu.enqueue_dma source(%arg6 : memref<64x128xf32, #tpu.memory_space<vmem>>) target(%dma_start3A_32 : memref<64x128xf32, #tpu.memory_space<vmem_shared>>) target_semaphore(%run_scoped3A : memref<!tpu.dma_semaphore, #tpu.memory_space<semaphore_mem>>)
        %dma_wait3A = arith.constant 0 : i32
        %dma_wait3A_33 = tpu.memref_slice %arg11[%add3A, %dma_wait3A] : memref<4104x128xf32, #tpu.memory_space<vmem_shared>> -> memref<64x128xf32, #tpu.memory_space<vmem_shared>>
        %dma_wait3A_34 = arith.constant 0 : i32
        %dma_wait3A_35 = tpu.memref_slice %arg11[%add3A, %dma_wait3A_34] : memref<4104x128xf32, #tpu.memory_space<vmem_shared>> -> memref<64x128xf32, #tpu.memory_space<vmem_shared>>
        tpu.wait_dma2 semaphore(%run_scoped3A : memref<!tpu.dma_semaphore, #tpu.memory_space<semaphore_mem>>) src(%arg6 : memref<64x128xf32, #tpu.memory_space<vmem>>) dst(%dma_wait3A_35 : memref<64x128xf32, #tpu.memory_space<vmem_shared>>)
        tpu.yield
      }) : () -> ()
    }
    %scan3A_13 = arith.constant 4 : i32
    %scan3A_14 = arith.constant 0 : i32
    %scan3A_15 = arith.constant 0 : i32
    %scan3A_16 = arith.constant 28 : i32
    %scan3A_17 = arith.addi %scan3A_15, %scan3A_16 : i32
    %scan3A_18 = arith.constant 1 : i32
    scf.for %scan3A_26 = %scan3A_15 to %scan3A_17 step %scan3A_18  : i32 {
      %mul3A = arith.constant 16 : i32
      %mul3A_27 = arith.muli %scan3A_26, %mul3A : i32
      %add3A = arith.addi %mul3A_27, %arg1 : i32
      %lt3A = arith.constant 447 : i32
      %lt3A_28 = arith.cmpi slt, %add3A, %lt3A : i32
      %convert_element_type3A = arith.extui %lt3A_28 : i1 to i32
      %cond3A = arith.constant 0 : i32
      %cond3A_29 = arith.cmpi ne, %convert_element_type3A, %cond3A : i32
      scf.if %cond3A_29 {
        %mul3A_30 = arith.constant 50064 : i32
        %mul3A_31 = arith.muli %arg0, %mul3A_30 : i32
        %mul3A_32 = arith.constant 112 : i32
        %mul3A_33 = arith.muli %add3A, %mul3A_32 : i32
        %add3A_34 = arith.addi %mul3A_31, %mul3A_33 : i32
        "tpu.region"() ({
          %run_scoped3A = tpu.sem_alloc : memref<!tpu.dma_semaphore, #tpu.memory_space<semaphore_mem>>
          %dma_start3A = tpu.memref_slice %arg2[%add3A_34] : memref<100128xf32, #tpu.memory_space<hbm>> -> memref<112xf32, #tpu.memory_space<hbm>>
          %dma_start3A_50 = tpu.memref_slice %arg2[%add3A_34] : memref<100128xf32, #tpu.memory_space<hbm>> -> memref<112xf32, #tpu.memory_space<hbm>>
          tpu.enqueue_dma source(%dma_start3A_50 : memref<112xf32, #tpu.memory_space<hbm>>) target(%arg7 : memref<112xf32, #tpu.memory_space<vmem>>) target_semaphore(%run_scoped3A : memref<!tpu.dma_semaphore, #tpu.memory_space<semaphore_mem>>)
          %dma_wait3A = tpu.memref_slice %arg2[%add3A_34] : memref<100128xf32, #tpu.memory_space<hbm>> -> memref<112xf32, #tpu.memory_space<hbm>>
          %dma_wait3A_51 = tpu.memref_slice %arg2[%add3A_34] : memref<100128xf32, #tpu.memory_space<hbm>> -> memref<112xf32, #tpu.memory_space<hbm>>
          tpu.wait_dma2 semaphore(%run_scoped3A : memref<!tpu.dma_semaphore, #tpu.memory_space<semaphore_mem>>) src(%dma_wait3A_51 : memref<112xf32, #tpu.memory_space<hbm>>) dst(%arg7 : memref<112xf32, #tpu.memory_space<vmem>>)
          tpu.yield
        }) : () -> ()
        %mul3A_35 = arith.constant 50064 : i32
        %mul3A_36 = arith.muli %arg0, %mul3A_35 : i32
        %mul3A_37 = arith.constant 112 : i32
        %mul3A_38 = arith.muli %add3A, %mul3A_37 : i32
        %add3A_39 = arith.addi %mul3A_36, %mul3A_38 : i32
        "tpu.region"() ({
          %run_scoped3A = tpu.sem_alloc : memref<!tpu.dma_semaphore, #tpu.memory_space<semaphore_mem>>
          %dma_start3A = tpu.memref_slice %arg3[%add3A_39] : memref<100128xf32, #tpu.memory_space<hbm>> -> memref<112xf32, #tpu.memory_space<hbm>>
          %dma_start3A_50 = tpu.memref_slice %arg3[%add3A_39] : memref<100128xf32, #tpu.memory_space<hbm>> -> memref<112xf32, #tpu.memory_space<hbm>>
          tpu.enqueue_dma source(%dma_start3A_50 : memref<112xf32, #tpu.memory_space<hbm>>) target(%arg8 : memref<112xf32, #tpu.memory_space<vmem>>) target_semaphore(%run_scoped3A : memref<!tpu.dma_semaphore, #tpu.memory_space<semaphore_mem>>)
          %dma_wait3A = tpu.memref_slice %arg3[%add3A_39] : memref<100128xf32, #tpu.memory_space<hbm>> -> memref<112xf32, #tpu.memory_space<hbm>>
          %dma_wait3A_51 = tpu.memref_slice %arg3[%add3A_39] : memref<100128xf32, #tpu.memory_space<hbm>> -> memref<112xf32, #tpu.memory_space<hbm>>
          tpu.wait_dma2 semaphore(%run_scoped3A : memref<!tpu.dma_semaphore, #tpu.memory_space<semaphore_mem>>) src(%dma_wait3A_51 : memref<112xf32, #tpu.memory_space<hbm>>) dst(%arg8 : memref<112xf32, #tpu.memory_space<vmem>>)
          tpu.yield
        }) : () -> ()
        %scan3A_40 = arith.constant 0 : i32
        %scan3A_41 = arith.constant 0 : i32
        %scan3A_42 = arith.constant 7 : i32
        %scan3A_43 = arith.addi %scan3A_41, %scan3A_42 : i32
        %scan3A_44 = arith.constant 1 : i32
        scf.for %scan3A_50 = %scan3A_41 to %scan3A_43 step %scan3A_44  : i32 {
          %mul3A_51 = arith.constant 16 : i32
          %mul3A_52 = arith.muli %scan3A_50, %mul3A_51 : i32
          %get3A = arith.index_cast %mul3A_52 : i32 to index
          %get3A_53 = tpu.vector_load %arg7[%get3A] {strides = array<i32>} : memref<112xf32, #tpu.memory_space<vmem>>, vector<16xf32>,
          %get3A_54 = vector.shape_cast %get3A_53 : vector<16xf32> to vector<16xf32>
          %mul3A_55 = arith.constant 16 : i32
          %mul3A_56 = arith.muli %scan3A_50, %mul3A_55 : i32
          %get3A_57 = arith.index_cast %mul3A_56 : i32 to index
          %get3A_58 = tpu.vector_load %arg8[%get3A_57] {strides = array<i32>} : memref<112xf32, #tpu.memory_space<vmem>>, vector<16xf32>,
          %get3A_59 = vector.shape_cast %get3A_58 : vector<16xf32> to vector<16xf32>
          %mul3A_60 = arith.constant 6.400000e+01 : f32
          %mul3A_61 = vector.broadcast %mul3A_60 : f32 to vector<16xf32>
          %mul3A_62 = arith.mulf %get3A_54, %mul3A_61 : vector<16xf32>
          %convert_element_type3A_63 = arith.fptosi %mul3A_62 : vector<16xf32> to vector<16xi32>
          %jit3A = arith.constant 0 : i32
          %jit3A_64 = arith.constant 63 : i32
          %max3A = vector.broadcast %jit3A : i32 to vector<16xi32>
          %max3A_65 = arith.maxsi %max3A, %convert_element_type3A_63 : vector<16xi32>
          %min3A = vector.broadcast %jit3A_64 : i32 to vector<16xi32>
          %min3A_66 = arith.minsi %min3A, %max3A_65 : vector<16xi32>
          %mul3A_67 = arith.constant 6.400000e+01 : f32
          %mul3A_68 = vector.broadcast %mul3A_67 : f32 to vector<16xf32>
          %mul3A_69 = arith.mulf %get3A_59, %mul3A_68 : vector<16xf32>
          %convert_element_type3A_70 = arith.fptosi %mul3A_69 : vector<16xf32> to vector<16xi32>
          %jit3A_71 = arith.constant 0 : i32
          %jit3A_72 = arith.constant 63 : i32
          %max3A_73 = vector.broadcast %jit3A_71 : i32 to vector<16xi32>
          %max3A_74 = arith.maxsi %max3A_73, %convert_element_type3A_70 : vector<16xi32>
          %min3A_75 = vector.broadcast %jit3A_72 : i32 to vector<16xi32>
          %min3A_76 = arith.minsi %min3A_75, %max3A_74 : vector<16xi32>
          %mul3A_77 = arith.constant 64 : i32
          %mul3A_78 = vector.broadcast %mul3A_77 : i32 to vector<16xi32>
          %mul3A_79 = arith.muli %min3A_66, %mul3A_78 : vector<16xi32>
          %add3A_80 = arith.addi %mul3A_79, %min3A_76 : vector<16xi32>
          %mul3A_81 = arith.constant 112 : i32
          %mul3A_82 = arith.muli %add3A, %mul3A_81 : i32
          %mul3A_83 = arith.constant 16 : i32
          %mul3A_84 = arith.muli %scan3A_50, %mul3A_83 : i32
          %add3A_85 = arith.addi %mul3A_82, %mul3A_84 : i32
          %add3A_86 = vector.broadcast %add3A_85 : i32 to vector<16xi32>
          %add3A_87 = arith.addi %add3A_86, %iota3A : vector<16xi32>
          %lt3A_88 = arith.constant 50000 : i32
          %lt3A_89 = vector.broadcast %lt3A_88 : i32 to vector<16xi32>
          %lt3A_90 = arith.cmpi slt, %add3A_87, %lt3A_89 : vector<16xi32>
          %jit3A_91 = arith.constant 134217728 : i32
          %broadcast_in_dim3A_92 = vector.broadcast %jit3A_91 : i32 to vector<16xi32>
          %select_n3A = arith.select %lt3A_90, %add3A_80, %broadcast_in_dim3A_92 : vector<16xi1>, vector<16xi32>
          %min3A_93 = arith.constant 4096 : i32
          %min3A_94 = vector.broadcast %min3A_93 : i32 to vector<16xi32>
          %min3A_95 = arith.minsi %select_n3A, %min3A_94 : vector<16xi32>
          %mul3A_96 = arith.constant 16 : i32
          %mul3A_97 = arith.muli %scan3A_50, %mul3A_96 : i32
          %swap3A_98 = arith.index_cast %scan3A_26 : i32 to index
          %swap3A_99 = arith.index_cast %mul3A_97 : i32 to index
          %swap3A_100 = tpu.vector_load %arg9[%swap3A_98, %swap3A_99] {strides = array<i32>} : memref<28x128xi32, #tpu.memory_space<vmem>>, vector<1x16xi32>,
          %swap3A_101 = vector.shape_cast %swap3A_100 : vector<1x16xi32> to vector<16xi32>
          %swap3A_102 = vector.shape_cast %min3A_95 : vector<16xi32> to vector<1x16xi32>
          tpu.vector_store %arg9[%swap3A_98, %swap3A_99], %swap3A_102 {strides = array<i32>} : memref<28x128xi32, #tpu.memory_space<vmem>>, vector<1x16xi32>,
        }
        %scan3A_45 = arith.constant 7 : i32
        %swap3A = arith.index_cast %scan3A_26 : i32 to index
        %swap3A_46 = arith.constant 112 : index
        %swap3A_47 = tpu.vector_load %arg9[%swap3A, %swap3A_46] {strides = array<i32>} : memref<28x128xi32, #tpu.memory_space<vmem>>, vector<1x16xi32>,
        %swap3A_48 = vector.shape_cast %swap3A_47 : vector<1x16xi32> to vector<16xi32>
        %swap3A_49 = vector.shape_cast %broadcast_in_dim3A_2 : vector<16xi32> to vector<1x16xi32>
        tpu.vector_store %arg9[%swap3A, %swap3A_46], %swap3A_49 {strides = array<i32>} : memref<28x128xi32, #tpu.memory_space<vmem>>, vector<1x16xi32>,
      } else {
      }
    }
    %scan3A_19 = arith.constant 28 : i32
    %barrier3A = arith.constant 0 : index
    tpu.barrier barrier_id(%barrier3A)
    %scan3A_20 = arith.constant 0 : i32
    %scan3A_21 = arith.constant 0 : i32
    %scan3A_22 = arith.constant 3 : i32
    %scan3A_23 = arith.addi %scan3A_21, %scan3A_22 : i32
    %scan3A_24 = arith.constant 1 : i32
    scf.for %scan3A_26 = %scan3A_21 to %scan3A_23 step %scan3A_24  : i32 {
      %scan3A_27 = arith.constant 0 : i32
      %scan3A_28 = arith.constant 0 : i32
      %scan3A_29 = arith.constant 28 : i32
      %scan3A_30 = arith.addi %scan3A_28, %scan3A_29 : i32
      %scan3A_31 = arith.constant 1 : i32
      scf.for %scan3A_49 = %scan3A_28 to %scan3A_30 step %scan3A_31  : i32 {
        %mul3A_50 = arith.constant 16 : i32
        %mul3A_51 = arith.muli %scan3A_49, %mul3A_50 : i32
        %add3A_52 = arith.addi %mul3A_51, %arg1 : i32
        %lt3A = arith.constant 446 : i32
        %lt3A_53 = arith.cmpi slt, %add3A_52, %lt3A : i32
        %convert_element_type3A = arith.extui %lt3A_53 : i1 to i32
        %cond3A = arith.constant 0 : i32
        %cond3A_54 = arith.cmpi ne, %convert_element_type3A, %cond3A : i32
        scf.if %cond3A_54 {
          %mul3A_64 = arith.constant 112 : i32
          %mul3A_65 = arith.muli %add3A_52, %mul3A_64 : i32
          "tpu.region"() ({
            %run_scoped3A = tpu.sem_alloc : memref<!tpu.dma_semaphore, #tpu.memory_space<semaphore_mem>>
            %dma_start3A = arith.constant 0 : i32
            %dma_start3A_66 = arith.constant 0 : i32
            %dma_start3A_67 = tpu.memref_slice %arg10[%dma_start3A, %dma_start3A_66] : memref<128x128xf32, #tpu.memory_space<vmem>> -> memref<112x128xf32, #tpu.memory_space<vmem>>
            %dma_start3A_68 = arith.constant 0 : i32
            %dma_start3A_69 = tpu.memref_slice %arg4[%arg0, %scan3A_26, %mul3A_65, %dma_start3A_68] : memref<2x3x50000x128xf32, #tpu.memory_space<hbm>> -> memref<1x1x112x128xf32, #tpu.memory_space<hbm>>
            %dma_start3A_70 = tpu.memref_squeeze %dma_start3A_69 : memref<1x1x112x128xf32, #tpu.memory_space<hbm>> -> memref<112x128xf32, #tpu.memory_space<hbm>>
            %dma_start3A_71 = arith.constant 0 : i32
            %dma_start3A_72 = arith.constant 0 : i32
            %dma_start3A_73 = tpu.memref_slice %arg10[%dma_start3A_71, %dma_start3A_72] : memref<128x128xf32, #tpu.memory_space<vmem>> -> memref<112x128xf32, #tpu.memory_space<vmem>>
            %dma_start3A_74 = arith.constant 0 : i32
            %dma_start3A_75 = tpu.memref_slice %arg4[%arg0, %scan3A_26, %mul3A_65, %dma_start3A_74] : memref<2x3x50000x128xf32, #tpu.memory_space<hbm>> -> memref<1x1x112x128xf32, #tpu.memory_space<hbm>>
            %dma_start3A_76 = tpu.memref_squeeze %dma_start3A_75 : memref<1x1x112x128xf32, #tpu.memory_space<hbm>> -> memref<112x128xf32, #tpu.memory_space<hbm>>
            tpu.enqueue_dma source(%dma_start3A_76 : memref<112x128xf32, #tpu.memory_space<hbm>>) target(%dma_start3A_73 : memref<112x128xf32, #tpu.memory_space<vmem>>) target_semaphore(%run_scoped3A : memref<!tpu.dma_semaphore, #tpu.memory_space<semaphore_mem>>)
            %dma_wait3A = arith.constant 0 : i32
            %dma_wait3A_77 = arith.constant 0 : i32
            %dma_wait3A_78 = tpu.memref_slice %arg10[%dma_wait3A, %dma_wait3A_77] : memref<128x128xf32, #tpu.memory_space<vmem>> -> memref<112x128xf32, #tpu.memory_space<vmem>>
            %dma_wait3A_79 = arith.constant 0 : i32
            %dma_wait3A_80 = tpu.memref_slice %arg4[%arg0, %scan3A_26, %mul3A_65, %dma_wait3A_79] : memref<2x3x50000x128xf32, #tpu.memory_space<hbm>> -> memref<1x1x112x128xf32, #tpu.memory_space<hbm>>
            %dma_wait3A_81 = tpu.memref_squeeze %dma_wait3A_80 : memref<1x1x112x128xf32, #tpu.memory_space<hbm>> -> memref<112x128xf32, #tpu.memory_space<hbm>>
            %dma_wait3A_82 = arith.constant 0 : i32
            %dma_wait3A_83 = arith.constant 0 : i32
            %dma_wait3A_84 = tpu.memref_slice %arg10[%dma_wait3A_82, %dma_wait3A_83] : memref<128x128xf32, #tpu.memory_space<vmem>> -> memref<112x128xf32, #tpu.memory_space<vmem>>
            %dma_wait3A_85 = arith.constant 0 : i32
            %dma_wait3A_86 = tpu.memref_slice %arg4[%arg0, %scan3A_26, %mul3A_65, %dma_wait3A_85] : memref<2x3x50000x128xf32, #tpu.memory_space<hbm>> -> memref<1x1x112x128xf32, #tpu.memory_space<hbm>>
            %dma_wait3A_87 = tpu.memref_squeeze %dma_wait3A_86 : memref<1x1x112x128xf32, #tpu.memory_space<hbm>> -> memref<112x128xf32, #tpu.memory_space<hbm>>
            tpu.wait_dma2 semaphore(%run_scoped3A : memref<!tpu.dma_semaphore, #tpu.memory_space<semaphore_mem>>) src(%dma_wait3A_87 : memref<112x128xf32, #tpu.memory_space<hbm>>) dst(%dma_wait3A_84 : memref<112x128xf32, #tpu.memory_space<vmem>>)
            tpu.yield
          }) : () -> ()
        } else {
        }
        %eq3A = arith.constant 446 : i32
        %eq3A_55 = arith.cmpi eq, %add3A_52, %eq3A : i32
        %convert_element_type3A_56 = arith.extui %eq3A_55 : i1 to i32
        %cond3A_57 = arith.constant 0 : i32
        %cond3A_58 = arith.cmpi ne, %convert_element_type3A_56, %cond3A_57 : i32
        scf.if %cond3A_58 {
          "tpu.region"() ({
            %run_scoped3A = tpu.sem_alloc : memref<!tpu.dma_semaphore, #tpu.memory_space<semaphore_mem>>
            %dma_start3A = arith.constant 0 : i32
            %dma_start3A_64 = arith.constant 0 : i32
            %dma_start3A_65 = tpu.memref_slice %arg10[%dma_start3A, %dma_start3A_64] : memref<128x128xf32, #tpu.memory_space<vmem>> -> memref<48x128xf32, #tpu.memory_space<vmem>>
            %dma_start3A_66 = arith.constant 49952 : i32
            %dma_start3A_67 = arith.constant 0 : i32
            %dma_start3A_68 = tpu.memref_slice %arg4[%arg0, %scan3A_26, %dma_start3A_66, %dma_start3A_67] : memref<2x3x50000x128xf32, #tpu.memory_space<hbm>> -> memref<1x1x48x128xf32, #tpu.memory_space<hbm>>
            %dma_start3A_69 = tpu.memref_squeeze %dma_start3A_68 : memref<1x1x48x128xf32, #tpu.memory_space<hbm>> -> memref<48x128xf32, #tpu.memory_space<hbm>>
            %dma_start3A_70 = arith.constant 0 : i32
            %dma_start3A_71 = arith.constant 0 : i32
            %dma_start3A_72 = tpu.memref_slice %arg10[%dma_start3A_70, %dma_start3A_71] : memref<128x128xf32, #tpu.memory_space<vmem>> -> memref<48x128xf32, #tpu.memory_space<vmem>>
            %dma_start3A_73 = arith.constant 49952 : i32
            %dma_start3A_74 = arith.constant 0 : i32
            %dma_start3A_75 = tpu.memref_slice %arg4[%arg0, %scan3A_26, %dma_start3A_73, %dma_start3A_74] : memref<2x3x50000x128xf32, #tpu.memory_space<hbm>> -> memref<1x1x48x128xf32, #tpu.memory_space<hbm>>
            %dma_start3A_76 = tpu.memref_squeeze %dma_start3A_75 : memref<1x1x48x128xf32, #tpu.memory_space<hbm>> -> memref<48x128xf32, #tpu.memory_space<hbm>>
            tpu.enqueue_dma source(%dma_start3A_76 : memref<48x128xf32, #tpu.memory_space<hbm>>) target(%dma_start3A_72 : memref<48x128xf32, #tpu.memory_space<vmem>>) target_semaphore(%run_scoped3A : memref<!tpu.dma_semaphore, #tpu.memory_space<semaphore_mem>>)
            %dma_wait3A = arith.constant 0 : i32
            %dma_wait3A_77 = arith.constant 0 : i32
            %dma_wait3A_78 = tpu.memref_slice %arg10[%dma_wait3A, %dma_wait3A_77] : memref<128x128xf32, #tpu.memory_space<vmem>> -> memref<48x128xf32, #tpu.memory_space<vmem>>
            %dma_wait3A_79 = arith.constant 49952 : i32
            %dma_wait3A_80 = arith.constant 0 : i32
            %dma_wait3A_81 = tpu.memref_slice %arg4[%arg0, %scan3A_26, %dma_wait3A_79, %dma_wait3A_80] : memref<2x3x50000x128xf32, #tpu.memory_space<hbm>> -> memref<1x1x48x128xf32, #tpu.memory_space<hbm>>
            %dma_wait3A_82 = tpu.memref_squeeze %dma_wait3A_81 : memref<1x1x48x128xf32, #tpu.memory_space<hbm>> -> memref<48x128xf32, #tpu.memory_space<hbm>>
            %dma_wait3A_83 = arith.constant 0 : i32
            %dma_wait3A_84 = arith.constant 0 : i32
            %dma_wait3A_85 = tpu.memref_slice %arg10[%dma_wait3A_83, %dma_wait3A_84] : memref<128x128xf32, #tpu.memory_space<vmem>> -> memref<48x128xf32, #tpu.memory_space<vmem>>
            %dma_wait3A_86 = arith.constant 49952 : i32
            %dma_wait3A_87 = arith.constant 0 : i32
            %dma_wait3A_88 = tpu.memref_slice %arg4[%arg0, %scan3A_26, %dma_wait3A_86, %dma_wait3A_87] : memref<2x3x50000x128xf32, #tpu.memory_space<hbm>> -> memref<1x1x48x128xf32, #tpu.memory_space<hbm>>
            %dma_wait3A_89 = tpu.memref_squeeze %dma_wait3A_88 : memref<1x1x48x128xf32, #tpu.memory_space<hbm>> -> memref<48x128xf32, #tpu.memory_space<hbm>>
            tpu.wait_dma2 semaphore(%run_scoped3A : memref<!tpu.dma_semaphore, #tpu.memory_space<semaphore_mem>>) src(%dma_wait3A_89 : memref<48x128xf32, #tpu.memory_space<hbm>>) dst(%dma_wait3A_85 : memref<48x128xf32, #tpu.memory_space<vmem>>)
            tpu.yield
          }) : () -> ()
        } else {
        }
        %lt3A_59 = arith.constant 447 : i32
        %lt3A_60 = arith.cmpi slt, %add3A_52, %lt3A_59 : i32
        %convert_element_type3A_61 = arith.extui %lt3A_60 : i1 to i32
        %cond3A_62 = arith.constant 0 : i32
        %cond3A_63 = arith.cmpi ne, %convert_element_type3A_61, %cond3A_62 : i32
        scf.if %cond3A_63 {
          "tpu.region"() ({
            %run_scoped3A = tpu.sem_alloc : memref<!tpu.dma_semaphore, #tpu.memory_space<semaphore_mem>>
            %dma_start3A = arith.constant 0 : i32
            %dma_start3A_64 = tpu.memref_slice %arg9[%scan3A_49, %dma_start3A] : memref<28x128xi32, #tpu.memory_space<vmem>> -> memref<1x128xi32, #tpu.memory_space<vmem>>
            %dma_start3A_65 = tpu.memref_squeeze %dma_start3A_64 : memref<1x128xi32, #tpu.memory_space<vmem>> -> memref<128xi32, #tpu.memory_space<vmem>>
            %dma_start3A_66 = arith.constant 0 : i32
            %dma_start3A_67 = arith.constant 0 : i32
            %dma_start3A_68 = tpu.memref_slice %arg11[%dma_start3A_66, %dma_start3A_67] : memref<4104x128xf32, #tpu.memory_space<vmem_shared>> -> memref<4104x128xf32, #tpu.memory_space<vmem_shared>>
            tpu.enqueue_indirect_dma source(%arg10 : memref<128x128xf32, #tpu.memory_space<vmem>>) target(%dma_start3A_68 : memref<4104x128xf32, #tpu.memory_space<vmem_shared>>) offsets(%dma_start3A_65 : memref<128xi32, #tpu.memory_space<vmem>>) semaphore(%run_scoped3A : memref<!tpu.dma_semaphore, #tpu.memory_space<semaphore_mem>>) {add = true}
            %dma_wait3A = arith.constant 0 : i32
            %dma_wait3A_69 = tpu.memref_slice %arg9[%scan3A_49, %dma_wait3A] : memref<28x128xi32, #tpu.memory_space<vmem>> -> memref<1x128xi32, #tpu.memory_space<vmem>>
            %dma_wait3A_70 = tpu.memref_squeeze %dma_wait3A_69 : memref<1x128xi32, #tpu.memory_space<vmem>> -> memref<128xi32, #tpu.memory_space<vmem>>
            %dma_wait3A_71 = arith.constant 0 : i32
            %dma_wait3A_72 = arith.constant 0 : i32
            %dma_wait3A_73 = tpu.memref_slice %arg11[%dma_wait3A_71, %dma_wait3A_72] : memref<4104x128xf32, #tpu.memory_space<vmem_shared>> -> memref<4104x128xf32, #tpu.memory_space<vmem_shared>>
            tpu.wait_indirect_dma semaphore(%run_scoped3A : memref<!tpu.dma_semaphore, #tpu.memory_space<semaphore_mem>>) src(%arg10 : memref<128x128xf32, #tpu.memory_space<vmem>>) dst(%dma_wait3A_73 : memref<4104x128xf32, #tpu.memory_space<vmem_shared>>)
            tpu.yield
          }) : () -> ()
        } else {
        }
      }
      %scan3A_32 = arith.constant 28 : i32
      %barrier3A_33 = arith.constant 0 : index
      tpu.barrier barrier_id(%barrier3A_33)
      %mul3A = arith.constant 256 : i32
      %mul3A_34 = arith.muli %arg1, %mul3A : i32
      %mul3A_35 = arith.constant 3 : i32
      %mul3A_36 = arith.muli %arg0, %mul3A_35 : i32
      %add3A = arith.addi %mul3A_36, %scan3A_26 : i32
      %mul3A_37 = arith.constant 4096 : i32
      %mul3A_38 = arith.muli %add3A, %mul3A_37 : i32
      %mul3A_39 = arith.constant 256 : i32
      %mul3A_40 = arith.muli %arg1, %mul3A_39 : i32
      %add3A_41 = arith.addi %mul3A_38, %mul3A_40 : i32
      "tpu.region"() ({
        %run_scoped3A = tpu.sem_alloc : memref<!tpu.dma_semaphore, #tpu.memory_space<semaphore_mem>>
        %dma_start3A = arith.constant 0 : i32
        %dma_start3A_49 = tpu.memref_slice %arg5[%add3A_41, %dma_start3A] : memref<24576x128xf32, #tpu.memory_space<hbm>> -> memref<256x128xf32, #tpu.memory_space<hbm>>
        %dma_start3A_50 = arith.constant 0 : i32
        %dma_start3A_51 = tpu.memref_slice %arg11[%mul3A_34, %dma_start3A_50] : memref<4104x128xf32, #tpu.memory_space<vmem_shared>> -> memref<256x128xf32, #tpu.memory_space<vmem_shared>>
        tpu.enqueue_dma source(%dma_start3A_51 : memref<256x128xf32, #tpu.memory_space<vmem_shared>>) target(%dma_start3A_49 : memref<256x128xf32, #tpu.memory_space<hbm>>) target_semaphore(%run_scoped3A : memref<!tpu.dma_semaphore, #tpu.memory_space<semaphore_mem>>)
        %dma_wait3A = arith.constant 0 : i32
        %dma_wait3A_52 = tpu.memref_slice %arg5[%add3A_41, %dma_wait3A] : memref<24576x128xf32, #tpu.memory_space<hbm>> -> memref<256x128xf32, #tpu.memory_space<hbm>>
        %dma_wait3A_53 = arith.constant 0 : i32
        %dma_wait3A_54 = tpu.memref_slice %arg11[%mul3A_34, %dma_wait3A_53] : memref<4104x128xf32, #tpu.memory_space<vmem_shared>> -> memref<256x128xf32, #tpu.memory_space<vmem_shared>>
        tpu.wait_dma2 semaphore(%run_scoped3A : memref<!tpu.dma_semaphore, #tpu.memory_space<semaphore_mem>>) src(%dma_wait3A_54 : memref<256x128xf32, #tpu.memory_space<vmem_shared>>) dst(%dma_wait3A_52 : memref<256x128xf32, #tpu.memory_space<hbm>>)
        tpu.yield
      }) : () -> ()
      %scan3A_42 = arith.constant 0 : i32
      %scan3A_43 = arith.constant 0 : i32
      %scan3A_44 = arith.constant 4 : i32
      %scan3A_45 = arith.addi %scan3A_43, %scan3A_44 : i32
      %scan3A_46 = arith.constant 1 : i32
      scf.for %scan3A_49 = %scan3A_43 to %scan3A_45 step %scan3A_46  : i32 {
        %mul3A_50 = arith.constant 256 : i32
        %mul3A_51 = arith.muli %arg1, %mul3A_50 : i32
        %mul3A_52 = arith.constant 64 : i32
        %mul3A_53 = arith.muli %scan3A_49, %mul3A_52 : i32
        %add3A_54 = arith.addi %mul3A_51, %mul3A_53 : i32
        "tpu.region"() ({
          %run_scoped3A = tpu.sem_alloc : memref<!tpu.dma_semaphore, #tpu.memory_space<semaphore_mem>>
          %dma_start3A = arith.constant 0 : i32
          %dma_start3A_55 = tpu.memref_slice %arg11[%add3A_54, %dma_start3A] : memref<4104x128xf32, #tpu.memory_space<vmem_shared>> -> memref<64x128xf32, #tpu.memory_space<vmem_shared>>
          %dma_start3A_56 = arith.constant 0 : i32
          %dma_start3A_57 = tpu.memref_slice %arg11[%add3A_54, %dma_start3A_56] : memref<4104x128xf32, #tpu.memory_space<vmem_shared>> -> memref<64x128xf32, #tpu.memory_space<vmem_shared>>
          tpu.enqueue_dma source(%arg6 : memref<64x128xf32, #tpu.memory_space<vmem>>) target(%dma_start3A_57 : memref<64x128xf32, #tpu.memory_space<vmem_shared>>) target_semaphore(%run_scoped3A : memref<!tpu.dma_semaphore, #tpu.memory_space<semaphore_mem>>)
          %dma_wait3A = arith.constant 0 : i32
          %dma_wait3A_58 = tpu.memref_slice %arg11[%add3A_54, %dma_wait3A] : memref<4104x128xf32, #tpu.memory_space<vmem_shared>> -> memref<64x128xf32, #tpu.memory_space<vmem_shared>>
          %dma_wait3A_59 = arith.constant 0 : i32
          %dma_wait3A_60 = tpu.memref_slice %arg11[%add3A_54, %dma_wait3A_59] : memref<4104x128xf32, #tpu.memory_space<vmem_shared>> -> memref<64x128xf32, #tpu.memory_space<vmem_shared>>
          tpu.wait_dma2 semaphore(%run_scoped3A : memref<!tpu.dma_semaphore, #tpu.memory_space<semaphore_mem>>) src(%arg6 : memref<64x128xf32, #tpu.memory_space<vmem>>) dst(%dma_wait3A_60 : memref<64x128xf32, #tpu.memory_space<vmem_shared>>)
          tpu.yield
        }) : () -> ()
      }
      %scan3A_47 = arith.constant 4 : i32
      %barrier3A_48 = arith.constant 0 : index
      tpu.barrier barrier_id(%barrier3A_48)
    }
    %scan3A_25 = arith.constant 3 : i32
    return
  }
}

module attributes {stable_mosaic.version = 14 : i64} {
  func.func @_stats_body(%arg0: i32, %arg1: memref<1x1x4096x128xf32, #tpu.memory_space<vmem>>, %arg2: memref<1x64x4096xf32, #tpu.memory_space<vmem>>, %arg3: memref<32x32xf32, #tpu.memory_space<vmem>>, %arg4: memref<1x32xf32, #tpu.memory_space<vmem>>, %arg5: memref<32x16xf32, #tpu.memory_space<vmem>>, %arg6: memref<1x32xf32, #tpu.memory_space<vmem>>, %arg7: memref<2x64xf32, #tpu.memory_space<vmem>>, %arg8: memref<2x64xf32, #tpu.memory_space<vmem>>) attributes {dimension_semantics = [#tpu.dimension_semantics<arbitrary>], iteration_bounds = array<i64: 6>, scalar_prefetch = 0 : i64, scratch_operands = 1 : i64, tpu.core_type = #tpu.core_type<tc>, window_params = [{transform_indices = @transform_0, window_bounds = array<i64: 1, 1, 4096, 128>}, {transform_indices = @transform_1, window_bounds = array<i64: 1, 64, 4096>}, {pipeline_mode = #tpu.pipeline_mode<synchronous>, transform_indices = @transform_2, window_bounds = array<i64: 32, 32>}, {pipeline_mode = #tpu.pipeline_mode<synchronous>, transform_indices = @transform_3, window_bounds = array<i64: 1, 32>}, {pipeline_mode = #tpu.pipeline_mode<synchronous>, transform_indices = @transform_4, window_bounds = array<i64: 32, 16>}, {pipeline_mode = #tpu.pipeline_mode<synchronous>, transform_indices = @transform_5, window_bounds = array<i64: 1, 32>}, {pipeline_mode = #tpu.pipeline_mode<synchronous>, transform_indices = @transform_6, window_bounds = array<i64: 2, 64>}]} {
    %eq3A = arith.constant 0 : i32
    %eq3A_0 = arith.cmpi eq, %arg0, %eq3A : i32
    %convert_element_type3A = arith.extui %eq3A_0 : i1 to i32
    %cond3A = arith.constant 0 : i32
    %cond3A_1 = arith.cmpi ne, %convert_element_type3A, %cond3A : i32
    scf.if %cond3A_1 {
      %broadcast_in_dim3A = arith.constant 0.000000e+00 : f32
      %broadcast_in_dim3A_202 = vector.broadcast %broadcast_in_dim3A : f32 to vector<2x64xf32>
      %swap3A_203 = arith.constant 0 : index
      %swap3A_204 = arith.constant 0 : index
      %swap3A_205 = vector.load %arg8[%swap3A_203, %swap3A_204] : memref<2x64xf32, #tpu.memory_space<vmem>>, vector<2x64xf32>
      tpu.vector_store %arg8[%swap3A_203, %swap3A_204], %broadcast_in_dim3A_202 {strides = array<i32>} : memref<2x64xf32, #tpu.memory_space<vmem>>, vector<2x64xf32>,
    } else {
    }
    %get3A = arith.constant 0 : index
    %get3A_2 = arith.constant 0 : index
    %get3A_3 = arith.constant 0 : index
    %get3A_4 = arith.constant 0 : index
    %get3A_5 = vector.load %arg1[%get3A, %get3A_2, %get3A_3, %get3A_4] : memref<1x1x4096x128xf32, #tpu.memory_space<vmem>>, vector<1x1x4096x128xf32>
    %get3A_6 = vector.shape_cast %get3A_5 : vector<1x1x4096x128xf32> to vector<4096x128xf32>
    %get3A_7 = arith.constant 0 : index
    %get3A_8 = arith.constant 0 : index
    %get3A_9 = arith.constant 0 : index
    %get3A_10 = vector.load %arg2[%get3A_7, %get3A_8, %get3A_9] : memref<1x64x4096xf32, #tpu.memory_space<vmem>>, vector<1x64x4096xf32>
    %get3A_11 = vector.shape_cast %get3A_10 : vector<1x64x4096xf32> to vector<64x4096xf32>
    %slice3A = vector.extract_strided_slice %get3A_6 {offsets = [0, 0], sizes = [4096, 32], strides = [1, 1]} : vector<4096x128xf32> to vector<4096x32xf32>
    %slice3A_12 = vector.extract_strided_slice %get3A_11 {offsets = [0, 0], sizes = [16, 4096], strides = [1, 1]} : vector<64x4096xf32> to vector<16x4096xf32>
    %get3A_13 = arith.constant 0 : index
    %get3A_14 = arith.constant 0 : index
    %get3A_15 = vector.load %arg3[%get3A_13, %get3A_14] : memref<32x32xf32, #tpu.memory_space<vmem>>, vector<32x32xf32>
    %dot_general3A = arith.constant dense<0.000000e+00> : vector<32x4096xf32>
    %dot_general3A_16 = tpu.matmul %get3A_15, %slice3A, %dot_general3A {dimension_numbers = #tpu.dot_dimension_numbers<[1], [1], [0], [0], [0, 0, 1, 0], [], []>, transpose_lhs_hint = false} : vector<32x32xf32>, vector<4096x32xf32>, vector<32x4096xf32> -> vector<32x4096xf32>
    %get3A_17 = arith.constant 0 : index
    %get3A_18 = arith.constant 0 : index
    %get3A_19 = vector.load %arg4[%get3A_17, %get3A_18] : memref<1x32xf32, #tpu.memory_space<vmem>>, vector<1x32xf32>
    %reshape3A = vector.shape_cast %get3A_19 : vector<1x32xf32> to vector<32x1xf32>
    %add3A = vector.broadcast %reshape3A : vector<32x1xf32> to vector<32x4096xf32>
    %add3A_20 = arith.addf %dot_general3A_16, %add3A : vector<32x4096xf32>
    %get3A_21 = arith.constant 0 : index
    %get3A_22 = arith.constant 0 : index
    %get3A_23 = vector.load %arg5[%get3A_21, %get3A_22] : memref<32x16xf32, #tpu.memory_space<vmem>>, vector<32x16xf32>
    %dot_general3A_24 = arith.constant dense<0.000000e+00> : vector<32x4096xf32>
    %dot_general3A_25 = tpu.matmul %get3A_23, %slice3A_12, %dot_general3A_24 {dimension_numbers = #tpu.dot_dimension_numbers<[1], [0], [0], [1], [0, 0, 1, 1], [], []>, transpose_lhs_hint = false} : vector<32x16xf32>, vector<16x4096xf32>, vector<32x4096xf32> -> vector<32x4096xf32>
    %get3A_26 = arith.constant 0 : index
    %get3A_27 = arith.constant 0 : index
    %get3A_28 = vector.load %arg6[%get3A_26, %get3A_27] : memref<1x32xf32, #tpu.memory_space<vmem>>, vector<1x32xf32>
    %reshape3A_29 = vector.shape_cast %get3A_28 : vector<1x32xf32> to vector<32x1xf32>
    %add3A_30 = vector.broadcast %reshape3A_29 : vector<32x1xf32> to vector<32x4096xf32>
    %add3A_31 = arith.addf %dot_general3A_25, %add3A_30 : vector<32x4096xf32>
    %reduce_sum3A = arith.constant dense<0.000000e+00> : vector<32xf32>
    %reduce_sum3A_32 = vector.multi_reduction <add>, %add3A_20, %reduce_sum3A [1] : vector<32x4096xf32> to vector<32xf32>
    %reshape3A_33 = vector.shape_cast %reduce_sum3A_32 : vector<32xf32> to vector<1x32xf32>
    %mul3A = arith.mulf %add3A_20, %add3A_20 : vector<32x4096xf32>
    %reduce_sum3A_34 = arith.constant dense<0.000000e+00> : vector<32xf32>
    %reduce_sum3A_35 = vector.multi_reduction <add>, %mul3A, %reduce_sum3A_34 [1] : vector<32x4096xf32> to vector<32xf32>
    %reshape3A_36 = vector.shape_cast %reduce_sum3A_35 : vector<32xf32> to vector<1x32xf32>
    %reduce_sum3A_37 = arith.constant dense<0.000000e+00> : vector<32xf32>
    %reduce_sum3A_38 = vector.multi_reduction <add>, %add3A_31, %reduce_sum3A_37 [1] : vector<32x4096xf32> to vector<32xf32>
    %reshape3A_39 = vector.shape_cast %reduce_sum3A_38 : vector<32xf32> to vector<1x32xf32>
    %mul3A_40 = arith.mulf %add3A_31, %add3A_31 : vector<32x4096xf32>
    %reduce_sum3A_41 = arith.constant dense<0.000000e+00> : vector<32xf32>
    %reduce_sum3A_42 = vector.multi_reduction <add>, %mul3A_40, %reduce_sum3A_41 [1] : vector<32x4096xf32> to vector<32xf32>
    %reshape3A_43 = vector.shape_cast %reduce_sum3A_42 : vector<32xf32> to vector<1x32xf32>
    %concatenate3A = tpu.concatenate %reshape3A_33, %reshape3A_39 in 1 : vector<1x32xf32>, vector<1x32xf32> -> vector<1x64xf32>
    %concatenate3A_44 = tpu.concatenate %reshape3A_36, %reshape3A_43 in 1 : vector<1x32xf32>, vector<1x32xf32> -> vector<1x64xf32>
    %get3A_45 = arith.constant 0 : index
    %get3A_46 = arith.constant 0 : index
    %get3A_47 = vector.load %arg8[%get3A_45, %get3A_46] : memref<2x64xf32, #tpu.memory_space<vmem>>, vector<2x64xf32>
    %concatenate3A_48 = tpu.concatenate %concatenate3A, %concatenate3A_44 in 0 : vector<1x64xf32>, vector<1x64xf32> -> vector<2x64xf32>
    %add3A_49 = arith.addf %get3A_47, %concatenate3A_48 : vector<2x64xf32>
    %swap3A = arith.constant 0 : index
    %swap3A_50 = arith.constant 0 : index
    %swap3A_51 = vector.load %arg8[%swap3A, %swap3A_50] : memref<2x64xf32, #tpu.memory_space<vmem>>, vector<2x64xf32>
    tpu.vector_store %arg8[%swap3A, %swap3A_50], %add3A_49 {strides = array<i32>} : memref<2x64xf32, #tpu.memory_space<vmem>>, vector<2x64xf32>,
    %slice3A_52 = vector.extract_strided_slice %get3A_6 {offsets = [0, 32], sizes = [4096, 32], strides = [1, 1]} : vector<4096x128xf32> to vector<4096x32xf32>
    %slice3A_53 = vector.extract_strided_slice %get3A_11 {offsets = [16, 0], sizes = [16, 4096], strides = [1, 1]} : vector<64x4096xf32> to vector<16x4096xf32>
    %get3A_54 = arith.constant 0 : index
    %get3A_55 = arith.constant 0 : index
    %get3A_56 = vector.load %arg3[%get3A_54, %get3A_55] : memref<32x32xf32, #tpu.memory_space<vmem>>, vector<32x32xf32>
    %dot_general3A_57 = arith.constant dense<0.000000e+00> : vector<32x4096xf32>
    %dot_general3A_58 = tpu.matmul %get3A_56, %slice3A_52, %dot_general3A_57 {dimension_numbers = #tpu.dot_dimension_numbers<[1], [1], [0], [0], [0, 0, 1, 0], [], []>, transpose_lhs_hint = false} : vector<32x32xf32>, vector<4096x32xf32>, vector<32x4096xf32> -> vector<32x4096xf32>
    %get3A_59 = arith.constant 0 : index
    %get3A_60 = arith.constant 0 : index
    %get3A_61 = vector.load %arg4[%get3A_59, %get3A_60] : memref<1x32xf32, #tpu.memory_space<vmem>>, vector<1x32xf32>
    %reshape3A_62 = vector.shape_cast %get3A_61 : vector<1x32xf32> to vector<32x1xf32>
    %add3A_63 = vector.broadcast %reshape3A_62 : vector<32x1xf32> to vector<32x4096xf32>
    %add3A_64 = arith.addf %dot_general3A_58, %add3A_63 : vector<32x4096xf32>
    %get3A_65 = arith.constant 0 : index
    %get3A_66 = arith.constant 0 : index
    %get3A_67 = vector.load %arg5[%get3A_65, %get3A_66] : memref<32x16xf32, #tpu.memory_space<vmem>>, vector<32x16xf32>
    %dot_general3A_68 = arith.constant dense<0.000000e+00> : vector<32x4096xf32>
    %dot_general3A_69 = tpu.matmul %get3A_67, %slice3A_53, %dot_general3A_68 {dimension_numbers = #tpu.dot_dimension_numbers<[1], [0], [0], [1], [0, 0, 1, 1], [], []>, transpose_lhs_hint = false} : vector<32x16xf32>, vector<16x4096xf32>, vector<32x4096xf32> -> vector<32x4096xf32>
    %get3A_70 = arith.constant 0 : index
    %get3A_71 = arith.constant 0 : index
    %get3A_72 = vector.load %arg6[%get3A_70, %get3A_71] : memref<1x32xf32, #tpu.memory_space<vmem>>, vector<1x32xf32>
    %reshape3A_73 = vector.shape_cast %get3A_72 : vector<1x32xf32> to vector<32x1xf32>
    %add3A_74 = vector.broadcast %reshape3A_73 : vector<32x1xf32> to vector<32x4096xf32>
    %add3A_75 = arith.addf %dot_general3A_69, %add3A_74 : vector<32x4096xf32>
    %reduce_sum3A_76 = arith.constant dense<0.000000e+00> : vector<32xf32>
    %reduce_sum3A_77 = vector.multi_reduction <add>, %add3A_64, %reduce_sum3A_76 [1] : vector<32x4096xf32> to vector<32xf32>
    %reshape3A_78 = vector.shape_cast %reduce_sum3A_77 : vector<32xf32> to vector<1x32xf32>
    %mul3A_79 = arith.mulf %add3A_64, %add3A_64 : vector<32x4096xf32>
    %reduce_sum3A_80 = arith.constant dense<0.000000e+00> : vector<32xf32>
    %reduce_sum3A_81 = vector.multi_reduction <add>, %mul3A_79, %reduce_sum3A_80 [1] : vector<32x4096xf32> to vector<32xf32>
    %reshape3A_82 = vector.shape_cast %reduce_sum3A_81 : vector<32xf32> to vector<1x32xf32>
    %reduce_sum3A_83 = arith.constant dense<0.000000e+00> : vector<32xf32>
    %reduce_sum3A_84 = vector.multi_reduction <add>, %add3A_75, %reduce_sum3A_83 [1] : vector<32x4096xf32> to vector<32xf32>
    %reshape3A_85 = vector.shape_cast %reduce_sum3A_84 : vector<32xf32> to vector<1x32xf32>
    %mul3A_86 = arith.mulf %add3A_75, %add3A_75 : vector<32x4096xf32>
    %reduce_sum3A_87 = arith.constant dense<0.000000e+00> : vector<32xf32>
    %reduce_sum3A_88 = vector.multi_reduction <add>, %mul3A_86, %reduce_sum3A_87 [1] : vector<32x4096xf32> to vector<32xf32>
    %reshape3A_89 = vector.shape_cast %reduce_sum3A_88 : vector<32xf32> to vector<1x32xf32>
    %concatenate3A_90 = tpu.concatenate %reshape3A_78, %reshape3A_85 in 1 : vector<1x32xf32>, vector<1x32xf32> -> vector<1x64xf32>
    %concatenate3A_91 = tpu.concatenate %reshape3A_82, %reshape3A_89 in 1 : vector<1x32xf32>, vector<1x32xf32> -> vector<1x64xf32>
    %get3A_92 = arith.constant 0 : index
    %get3A_93 = arith.constant 0 : index
    %get3A_94 = vector.load %arg8[%get3A_92, %get3A_93] : memref<2x64xf32, #tpu.memory_space<vmem>>, vector<2x64xf32>
    %concatenate3A_95 = tpu.concatenate %concatenate3A_90, %concatenate3A_91 in 0 : vector<1x64xf32>, vector<1x64xf32> -> vector<2x64xf32>
    %add3A_96 = arith.addf %get3A_94, %concatenate3A_95 : vector<2x64xf32>
    %swap3A_97 = arith.constant 0 : index
    %swap3A_98 = arith.constant 0 : index
    %swap3A_99 = vector.load %arg8[%swap3A_97, %swap3A_98] : memref<2x64xf32, #tpu.memory_space<vmem>>, vector<2x64xf32>
    tpu.vector_store %arg8[%swap3A_97, %swap3A_98], %add3A_96 {strides = array<i32>} : memref<2x64xf32, #tpu.memory_space<vmem>>, vector<2x64xf32>,
    %slice3A_100 = vector.extract_strided_slice %get3A_6 {offsets = [0, 64], sizes = [4096, 32], strides = [1, 1]} : vector<4096x128xf32> to vector<4096x32xf32>
    %slice3A_101 = vector.extract_strided_slice %get3A_11 {offsets = [32, 0], sizes = [16, 4096], strides = [1, 1]} : vector<64x4096xf32> to vector<16x4096xf32>
    %get3A_102 = arith.constant 0 : index
    %get3A_103 = arith.constant 0 : index
    %get3A_104 = vector.load %arg3[%get3A_102, %get3A_103] : memref<32x32xf32, #tpu.memory_space<vmem>>, vector<32x32xf32>
    %dot_general3A_105 = arith.constant dense<0.000000e+00> : vector<32x4096xf32>
    %dot_general3A_106 = tpu.matmul %get3A_104, %slice3A_100, %dot_general3A_105 {dimension_numbers = #tpu.dot_dimension_numbers<[1], [1], [0], [0], [0, 0, 1, 0], [], []>, transpose_lhs_hint = false} : vector<32x32xf32>, vector<4096x32xf32>, vector<32x4096xf32> -> vector<32x4096xf32>
    %get3A_107 = arith.constant 0 : index
    %get3A_108 = arith.constant 0 : index
    %get3A_109 = vector.load %arg4[%get3A_107, %get3A_108] : memref<1x32xf32, #tpu.memory_space<vmem>>, vector<1x32xf32>
    %reshape3A_110 = vector.shape_cast %get3A_109 : vector<1x32xf32> to vector<32x1xf32>
    %add3A_111 = vector.broadcast %reshape3A_110 : vector<32x1xf32> to vector<32x4096xf32>
    %add3A_112 = arith.addf %dot_general3A_106, %add3A_111 : vector<32x4096xf32>
    %get3A_113 = arith.constant 0 : index
    %get3A_114 = arith.constant 0 : index
    %get3A_115 = vector.load %arg5[%get3A_113, %get3A_114] : memref<32x16xf32, #tpu.memory_space<vmem>>, vector<32x16xf32>
    %dot_general3A_116 = arith.constant dense<0.000000e+00> : vector<32x4096xf32>
    %dot_general3A_117 = tpu.matmul %get3A_115, %slice3A_101, %dot_general3A_116 {dimension_numbers = #tpu.dot_dimension_numbers<[1], [0], [0], [1], [0, 0, 1, 1], [], []>, transpose_lhs_hint = false} : vector<32x16xf32>, vector<16x4096xf32>, vector<32x4096xf32> -> vector<32x4096xf32>
    %get3A_118 = arith.constant 0 : index
    %get3A_119 = arith.constant 0 : index
    %get3A_120 = vector.load %arg6[%get3A_118, %get3A_119] : memref<1x32xf32, #tpu.memory_space<vmem>>, vector<1x32xf32>
    %reshape3A_121 = vector.shape_cast %get3A_120 : vector<1x32xf32> to vector<32x1xf32>
    %add3A_122 = vector.broadcast %reshape3A_121 : vector<32x1xf32> to vector<32x4096xf32>
    %add3A_123 = arith.addf %dot_general3A_117, %add3A_122 : vector<32x4096xf32>
    %reduce_sum3A_124 = arith.constant dense<0.000000e+00> : vector<32xf32>
    %reduce_sum3A_125 = vector.multi_reduction <add>, %add3A_112, %reduce_sum3A_124 [1] : vector<32x4096xf32> to vector<32xf32>
    %reshape3A_126 = vector.shape_cast %reduce_sum3A_125 : vector<32xf32> to vector<1x32xf32>
    %mul3A_127 = arith.mulf %add3A_112, %add3A_112 : vector<32x4096xf32>
    %reduce_sum3A_128 = arith.constant dense<0.000000e+00> : vector<32xf32>
    %reduce_sum3A_129 = vector.multi_reduction <add>, %mul3A_127, %reduce_sum3A_128 [1] : vector<32x4096xf32> to vector<32xf32>
    %reshape3A_130 = vector.shape_cast %reduce_sum3A_129 : vector<32xf32> to vector<1x32xf32>
    %reduce_sum3A_131 = arith.constant dense<0.000000e+00> : vector<32xf32>
    %reduce_sum3A_132 = vector.multi_reduction <add>, %add3A_123, %reduce_sum3A_131 [1] : vector<32x4096xf32> to vector<32xf32>
    %reshape3A_133 = vector.shape_cast %reduce_sum3A_132 : vector<32xf32> to vector<1x32xf32>
    %mul3A_134 = arith.mulf %add3A_123, %add3A_123 : vector<32x4096xf32>
    %reduce_sum3A_135 = arith.constant dense<0.000000e+00> : vector<32xf32>
    %reduce_sum3A_136 = vector.multi_reduction <add>, %mul3A_134, %reduce_sum3A_135 [1] : vector<32x4096xf32> to vector<32xf32>
    %reshape3A_137 = vector.shape_cast %reduce_sum3A_136 : vector<32xf32> to vector<1x32xf32>
    %concatenate3A_138 = tpu.concatenate %reshape3A_126, %reshape3A_133 in 1 : vector<1x32xf32>, vector<1x32xf32> -> vector<1x64xf32>
    %concatenate3A_139 = tpu.concatenate %reshape3A_130, %reshape3A_137 in 1 : vector<1x32xf32>, vector<1x32xf32> -> vector<1x64xf32>
    %get3A_140 = arith.constant 0 : index
    %get3A_141 = arith.constant 0 : index
    %get3A_142 = vector.load %arg8[%get3A_140, %get3A_141] : memref<2x64xf32, #tpu.memory_space<vmem>>, vector<2x64xf32>
    %concatenate3A_143 = tpu.concatenate %concatenate3A_138, %concatenate3A_139 in 0 : vector<1x64xf32>, vector<1x64xf32> -> vector<2x64xf32>
    %add3A_144 = arith.addf %get3A_142, %concatenate3A_143 : vector<2x64xf32>
    %swap3A_145 = arith.constant 0 : index
    %swap3A_146 = arith.constant 0 : index
    %swap3A_147 = vector.load %arg8[%swap3A_145, %swap3A_146] : memref<2x64xf32, #tpu.memory_space<vmem>>, vector<2x64xf32>
    tpu.vector_store %arg8[%swap3A_145, %swap3A_146], %add3A_144 {strides = array<i32>} : memref<2x64xf32, #tpu.memory_space<vmem>>, vector<2x64xf32>,
    %slice3A_148 = vector.extract_strided_slice %get3A_6 {offsets = [0, 96], sizes = [4096, 32], strides = [1, 1]} : vector<4096x128xf32> to vector<4096x32xf32>
    %slice3A_149 = vector.extract_strided_slice %get3A_11 {offsets = [48, 0], sizes = [16, 4096], strides = [1, 1]} : vector<64x4096xf32> to vector<16x4096xf32>
    %get3A_150 = arith.constant 0 : index
    %get3A_151 = arith.constant 0 : index
    %get3A_152 = vector.load %arg3[%get3A_150, %get3A_151] : memref<32x32xf32, #tpu.memory_space<vmem>>, vector<32x32xf32>
    %dot_general3A_153 = arith.constant dense<0.000000e+00> : vector<32x4096xf32>
    %dot_general3A_154 = tpu.matmul %get3A_152, %slice3A_148, %dot_general3A_153 {dimension_numbers = #tpu.dot_dimension_numbers<[1], [1], [0], [0], [0, 0, 1, 0], [], []>, transpose_lhs_hint = false} : vector<32x32xf32>, vector<4096x32xf32>, vector<32x4096xf32> -> vector<32x4096xf32>
    %get3A_155 = arith.constant 0 : index
    %get3A_156 = arith.constant 0 : index
    %get3A_157 = vector.load %arg4[%get3A_155, %get3A_156] : memref<1x32xf32, #tpu.memory_space<vmem>>, vector<1x32xf32>
    %reshape3A_158 = vector.shape_cast %get3A_157 : vector<1x32xf32> to vector<32x1xf32>
    %add3A_159 = vector.broadcast %reshape3A_158 : vector<32x1xf32> to vector<32x4096xf32>
    %add3A_160 = arith.addf %dot_general3A_154, %add3A_159 : vector<32x4096xf32>
    %get3A_161 = arith.constant 0 : index
    %get3A_162 = arith.constant 0 : index
    %get3A_163 = vector.load %arg5[%get3A_161, %get3A_162] : memref<32x16xf32, #tpu.memory_space<vmem>>, vector<32x16xf32>
    %dot_general3A_164 = arith.constant dense<0.000000e+00> : vector<32x4096xf32>
    %dot_general3A_165 = tpu.matmul %get3A_163, %slice3A_149, %dot_general3A_164 {dimension_numbers = #tpu.dot_dimension_numbers<[1], [0], [0], [1], [0, 0, 1, 1], [], []>, transpose_lhs_hint = false} : vector<32x16xf32>, vector<16x4096xf32>, vector<32x4096xf32> -> vector<32x4096xf32>
    %get3A_166 = arith.constant 0 : index
    %get3A_167 = arith.constant 0 : index
    %get3A_168 = vector.load %arg6[%get3A_166, %get3A_167] : memref<1x32xf32, #tpu.memory_space<vmem>>, vector<1x32xf32>
    %reshape3A_169 = vector.shape_cast %get3A_168 : vector<1x32xf32> to vector<32x1xf32>
    %add3A_170 = vector.broadcast %reshape3A_169 : vector<32x1xf32> to vector<32x4096xf32>
    %add3A_171 = arith.addf %dot_general3A_165, %add3A_170 : vector<32x4096xf32>
    %reduce_sum3A_172 = arith.constant dense<0.000000e+00> : vector<32xf32>
    %reduce_sum3A_173 = vector.multi_reduction <add>, %add3A_160, %reduce_sum3A_172 [1] : vector<32x4096xf32> to vector<32xf32>
    %reshape3A_174 = vector.shape_cast %reduce_sum3A_173 : vector<32xf32> to vector<1x32xf32>
    %mul3A_175 = arith.mulf %add3A_160, %add3A_160 : vector<32x4096xf32>
    %reduce_sum3A_176 = arith.constant dense<0.000000e+00> : vector<32xf32>
    %reduce_sum3A_177 = vector.multi_reduction <add>, %mul3A_175, %reduce_sum3A_176 [1] : vector<32x4096xf32> to vector<32xf32>
    %reshape3A_178 = vector.shape_cast %reduce_sum3A_177 : vector<32xf32> to vector<1x32xf32>
    %reduce_sum3A_179 = arith.constant dense<0.000000e+00> : vector<32xf32>
    %reduce_sum3A_180 = vector.multi_reduction <add>, %add3A_171, %reduce_sum3A_179 [1] : vector<32x4096xf32> to vector<32xf32>
    %reshape3A_181 = vector.shape_cast %reduce_sum3A_180 : vector<32xf32> to vector<1x32xf32>
    %mul3A_182 = arith.mulf %add3A_171, %add3A_171 : vector<32x4096xf32>
    %reduce_sum3A_183 = arith.constant dense<0.000000e+00> : vector<32xf32>
    %reduce_sum3A_184 = vector.multi_reduction <add>, %mul3A_182, %reduce_sum3A_183 [1] : vector<32x4096xf32> to vector<32xf32>
    %reshape3A_185 = vector.shape_cast %reduce_sum3A_184 : vector<32xf32> to vector<1x32xf32>
    %concatenate3A_186 = tpu.concatenate %reshape3A_174, %reshape3A_181 in 1 : vector<1x32xf32>, vector<1x32xf32> -> vector<1x64xf32>
    %concatenate3A_187 = tpu.concatenate %reshape3A_178, %reshape3A_185 in 1 : vector<1x32xf32>, vector<1x32xf32> -> vector<1x64xf32>
    %get3A_188 = arith.constant 0 : index
    %get3A_189 = arith.constant 0 : index
    %get3A_190 = vector.load %arg8[%get3A_188, %get3A_189] : memref<2x64xf32, #tpu.memory_space<vmem>>, vector<2x64xf32>
    %concatenate3A_191 = tpu.concatenate %concatenate3A_186, %concatenate3A_187 in 0 : vector<1x64xf32>, vector<1x64xf32> -> vector<2x64xf32>
    %add3A_192 = arith.addf %get3A_190, %concatenate3A_191 : vector<2x64xf32>
    %swap3A_193 = arith.constant 0 : index
    %swap3A_194 = arith.constant 0 : index
    %swap3A_195 = vector.load %arg8[%swap3A_193, %swap3A_194] : memref<2x64xf32, #tpu.memory_space<vmem>>, vector<2x64xf32>
    tpu.vector_store %arg8[%swap3A_193, %swap3A_194], %add3A_192 {strides = array<i32>} : memref<2x64xf32, #tpu.memory_space<vmem>>, vector<2x64xf32>,
    %get3A_196 = arith.constant 0 : index
    %get3A_197 = arith.constant 0 : index
    %get3A_198 = vector.load %arg8[%get3A_196, %get3A_197] : memref<2x64xf32, #tpu.memory_space<vmem>>, vector<2x64xf32>
    %swap3A_199 = arith.constant 0 : index
    %swap3A_200 = arith.constant 0 : index
    %swap3A_201 = vector.load %arg7[%swap3A_199, %swap3A_200] : memref<2x64xf32, #tpu.memory_space<vmem>>, vector<2x64xf32>
    tpu.vector_store %arg7[%swap3A_199, %swap3A_200], %get3A_198 {strides = array<i32>} : memref<2x64xf32, #tpu.memory_space<vmem>>, vector<2x64xf32>,
    return
  }
  func.func @transform_0(%arg0: i32) -> (i32, i32, i32, i32) {
    %jit3A = arith.constant 3 : i32
    %div3A = arith.divsi %arg0, %jit3A : i32
    %sign3A = arith.constant 0 : i32
    %sign3A_0 = arith.cmpi sgt, %arg0, %sign3A : i32
    %sign3A_1 = arith.extui %sign3A_0 : i1 to i32
    %sign3A_2 = arith.constant 0 : i32
    %sign3A_3 = arith.cmpi slt, %arg0, %sign3A_2 : i32
    %sign3A_4 = arith.extui %sign3A_3 : i1 to i32
    %sign3A_5 = arith.subi %sign3A_1, %sign3A_4 : i32
    %sign3A_6 = arith.constant 0 : i32
    %sign3A_7 = arith.cmpi sgt, %jit3A, %sign3A_6 : i32
    %sign3A_8 = arith.extui %sign3A_7 : i1 to i32
    %sign3A_9 = arith.constant 0 : i32
    %sign3A_10 = arith.cmpi slt, %jit3A, %sign3A_9 : i32
    %sign3A_11 = arith.extui %sign3A_10 : i1 to i32
    %sign3A_12 = arith.subi %sign3A_8, %sign3A_11 : i32
    %ne3A = arith.cmpi ne, %sign3A_5, %sign3A_12 : i32
    %rem3A = arith.remsi %arg0, %jit3A : i32
    %ne3A_13 = arith.constant 0 : i32
    %ne3A_14 = arith.cmpi ne, %rem3A, %ne3A_13 : i32
    %and3A = arith.andi %ne3A, %ne3A_14 : i1
    %sub3A = arith.constant 1 : i32
    %sub3A_15 = arith.subi %div3A, %sub3A : i32
    %select_n3A = arith.select %and3A, %sub3A_15, %div3A : i32
    %jit3A_16 = arith.constant 3 : i32
    %eq3A = arith.constant 0 : i32
    %eq3A_17 = arith.cmpi eq, %jit3A_16, %eq3A : i32
    %jit3A_18 = arith.constant 1 : i32
    %select_n3A_19 = arith.select %eq3A_17, %jit3A_18, %jit3A_16 : i32
    %rem3A_20 = arith.remsi %arg0, %select_n3A_19 : i32
    %ne3A_21 = arith.constant 0 : i32
    %ne3A_22 = arith.cmpi ne, %rem3A_20, %ne3A_21 : i32
    %lt3A = arith.constant 0 : i32
    %lt3A_23 = arith.cmpi slt, %rem3A_20, %lt3A : i32
    %lt3A_24 = arith.constant 0 : i32
    %lt3A_25 = arith.cmpi slt, %select_n3A_19, %lt3A_24 : i32
    %ne3A_26 = arith.xori %lt3A_23, %lt3A_25 : i1
    %and3A_27 = arith.andi %ne3A_26, %ne3A_22 : i1
    %add3A = arith.addi %rem3A_20, %select_n3A_19 : i32
    %select_n3A_28 = arith.select %and3A_27, %add3A, %rem3A_20 : i32
    %c0_i32 = arith.constant 0 : i32
    %c0_i32_29 = arith.constant 0 : i32
    %c0_i32_30 = arith.constant 0 : i32
    return %select_n3A, %select_n3A_28, %c0_i32, %c0_i32_29 : i32, i32, i32, i32
  }
  func.func @transform_1(%arg0: i32) -> (i32, i32, i32) {
    %c0_i32 = arith.constant 0 : i32
    %c0_i32_0 = arith.constant 0 : i32
    %c0_i32_1 = arith.constant 0 : i32
    return %arg0, %c0_i32, %c0_i32_0 : i32, i32, i32
  }
  func.func @transform_2(%arg0: i32) -> (i32, i32) {
    %c0_i32 = arith.constant 0 : i32
    %c0_i32_0 = arith.constant 0 : i32
    %c0_i32_1 = arith.constant 0 : i32
    return %c0_i32, %c0_i32_0 : i32, i32
  }
  func.func @transform_3(%arg0: i32) -> (i32, i32) {
    %c0_i32 = arith.constant 0 : i32
    %c0_i32_0 = arith.constant 0 : i32
    %c0_i32_1 = arith.constant 0 : i32
    return %c0_i32, %c0_i32_0 : i32, i32
  }
  func.func @transform_4(%arg0: i32) -> (i32, i32) {
    %c0_i32 = arith.constant 0 : i32
    %c0_i32_0 = arith.constant 0 : i32
    %c0_i32_1 = arith.constant 0 : i32
    return %c0_i32, %c0_i32_0 : i32, i32
  }
  func.func @transform_5(%arg0: i32) -> (i32, i32) {
    %c0_i32 = arith.constant 0 : i32
    %c0_i32_0 = arith.constant 0 : i32
    %c0_i32_1 = arith.constant 0 : i32
    return %c0_i32, %c0_i32_0 : i32, i32
  }
  func.func @transform_6(%arg0: i32) -> (i32, i32) {
    %c0_i32 = arith.constant 0 : i32
    %c0_i32_0 = arith.constant 0 : i32
    %c0_i32_1 = arith.constant 0 : i32
    return %c0_i32, %c0_i32_0 : i32, i32
  }
}

module attributes {stable_mosaic.version = 14 : i64} {
  func.func @_norm_body(%arg0: i32, %arg1: memref<2x64xf32, #tpu.memory_space<vmem>>, %arg2: memref<1x1x4096x128xf32, #tpu.memory_space<vmem>>, %arg3: memref<1x64x4096xf32, #tpu.memory_space<vmem>>, %arg4: memref<32x32xf32, #tpu.memory_space<vmem>>, %arg5: memref<1x32xf32, #tpu.memory_space<vmem>>, %arg6: memref<32x16xf32, #tpu.memory_space<vmem>>, %arg7: memref<1x32xf32, #tpu.memory_space<vmem>>, %arg8: memref<1x64xf32, #tpu.memory_space<vmem>>, %arg9: memref<1x64xf32, #tpu.memory_space<vmem>>, %arg10: memref<4x64x4096xf32, #tpu.memory_space<vmem>>) attributes {dimension_semantics = [#tpu.dimension_semantics<arbitrary>], iteration_bounds = array<i64: 6>, scalar_prefetch = 0 : i64, scratch_operands = 0 : i64, tpu.core_type = #tpu.core_type<tc>, window_params = [{pipeline_mode = #tpu.pipeline_mode<synchronous>, transform_indices = @transform_0, window_bounds = array<i64: 2, 64>}, {transform_indices = @transform_1, window_bounds = array<i64: 1, 1, 4096, 128>}, {transform_indices = @transform_2, window_bounds = array<i64: 1, 64, 4096>}, {pipeline_mode = #tpu.pipeline_mode<synchronous>, transform_indices = @transform_3, window_bounds = array<i64: 32, 32>}, {pipeline_mode = #tpu.pipeline_mode<synchronous>, transform_indices = @transform_4, window_bounds = array<i64: 1, 32>}, {pipeline_mode = #tpu.pipeline_mode<synchronous>, transform_indices = @transform_5, window_bounds = array<i64: 32, 16>}, {pipeline_mode = #tpu.pipeline_mode<synchronous>, transform_indices = @transform_6, window_bounds = array<i64: 1, 32>}, {pipeline_mode = #tpu.pipeline_mode<synchronous>, transform_indices = @transform_7, window_bounds = array<i64: 1, 64>}, {pipeline_mode = #tpu.pipeline_mode<synchronous>, transform_indices = @transform_8, window_bounds = array<i64: 1, 64>}, {transform_indices = @transform_9, window_bounds = array<i64: 4, 64, 4096>}]} {
    %get3A = arith.constant 0 : index
    %get3A_0 = arith.constant 0 : index
    %get3A_1 = vector.load %arg1[%get3A, %get3A_0] : memref<2x64xf32, #tpu.memory_space<vmem>>, vector<2x64xf32>
    %slice3A = vector.extract_strided_slice %get3A_1 {offsets = [0, 0], sizes = [1, 64], strides = [1, 1]} : vector<2x64xf32> to vector<1x64xf32>
    %div3A = arith.constant 9.830400e+04 : f32
    %div3A_2 = vector.broadcast %div3A : f32 to vector<1x64xf32>
    %div3A_3 = arith.divf %slice3A, %div3A_2 : vector<1x64xf32>
    %slice3A_4 = vector.extract_strided_slice %get3A_1 {offsets = [1, 0], sizes = [1, 64], strides = [1, 1]} : vector<2x64xf32> to vector<1x64xf32>
    %div3A_5 = arith.constant 9.830400e+04 : f32
    %div3A_6 = vector.broadcast %div3A_5 : f32 to vector<1x64xf32>
    %div3A_7 = arith.divf %slice3A_4, %div3A_6 : vector<1x64xf32>
    %mul3A = arith.mulf %div3A_3, %div3A_3 : vector<1x64xf32>
    %sub3A = arith.subf %div3A_7, %mul3A : vector<1x64xf32>
    %get3A_8 = arith.constant 0 : index
    %get3A_9 = arith.constant 0 : index
    %get3A_10 = vector.load %arg8[%get3A_8, %get3A_9] : memref<1x64xf32, #tpu.memory_space<vmem>>, vector<1x64xf32>
    %add3A = arith.constant 9.99999974E-6 : f32
    %add3A_11 = vector.broadcast %add3A : f32 to vector<1x64xf32>
    %add3A_12 = arith.addf %sub3A, %add3A_11 : vector<1x64xf32>
    %rsqrt3A = math.rsqrt %add3A_12 : vector<1x64xf32>
    %mul3A_13 = arith.mulf %get3A_10, %rsqrt3A : vector<1x64xf32>
    %get3A_14 = arith.constant 0 : index
    %get3A_15 = arith.constant 0 : index
    %get3A_16 = vector.load %arg9[%get3A_14, %get3A_15] : memref<1x64xf32, #tpu.memory_space<vmem>>, vector<1x64xf32>
    %mul3A_17 = arith.mulf %div3A_3, %mul3A_13 : vector<1x64xf32>
    %sub3A_18 = arith.subf %get3A_16, %mul3A_17 : vector<1x64xf32>
    %reshape3A = vector.shape_cast %mul3A_13 : vector<1x64xf32> to vector<64x1xf32>
    %reshape3A_19 = vector.shape_cast %sub3A_18 : vector<1x64xf32> to vector<64x1xf32>
    %get3A_20 = arith.constant 0 : index
    %get3A_21 = arith.constant 0 : index
    %get3A_22 = arith.constant 0 : index
    %get3A_23 = arith.constant 0 : index
    %get3A_24 = vector.load %arg2[%get3A_20, %get3A_21, %get3A_22, %get3A_23] : memref<1x1x4096x128xf32, #tpu.memory_space<vmem>>, vector<1x1x4096x128xf32>
    %get3A_25 = vector.shape_cast %get3A_24 : vector<1x1x4096x128xf32> to vector<4096x128xf32>
    %get3A_26 = arith.constant 0 : index
    %get3A_27 = arith.constant 0 : index
    %get3A_28 = arith.constant 0 : index
    %get3A_29 = vector.load %arg3[%get3A_26, %get3A_27, %get3A_28] : memref<1x64x4096xf32, #tpu.memory_space<vmem>>, vector<1x64x4096xf32>
    %get3A_30 = vector.shape_cast %get3A_29 : vector<1x64x4096xf32> to vector<64x4096xf32>
    %slice3A_31 = vector.extract_strided_slice %get3A_25 {offsets = [0, 0], sizes = [4096, 32], strides = [1, 1]} : vector<4096x128xf32> to vector<4096x32xf32>
    %slice3A_32 = vector.extract_strided_slice %get3A_30 {offsets = [0, 0], sizes = [16, 4096], strides = [1, 1]} : vector<64x4096xf32> to vector<16x4096xf32>
    %get3A_33 = arith.constant 0 : index
    %get3A_34 = arith.constant 0 : index
    %get3A_35 = vector.load %arg4[%get3A_33, %get3A_34] : memref<32x32xf32, #tpu.memory_space<vmem>>, vector<32x32xf32>
    %dot_general3A = arith.constant dense<0.000000e+00> : vector<32x4096xf32>
    %dot_general3A_36 = tpu.matmul %get3A_35, %slice3A_31, %dot_general3A {dimension_numbers = #tpu.dot_dimension_numbers<[1], [1], [0], [0], [0, 0, 1, 0], [], []>, transpose_lhs_hint = false} : vector<32x32xf32>, vector<4096x32xf32>, vector<32x4096xf32> -> vector<32x4096xf32>
    %get3A_37 = arith.constant 0 : index
    %get3A_38 = arith.constant 0 : index
    %get3A_39 = vector.load %arg5[%get3A_37, %get3A_38] : memref<1x32xf32, #tpu.memory_space<vmem>>, vector<1x32xf32>
    %reshape3A_40 = vector.shape_cast %get3A_39 : vector<1x32xf32> to vector<32x1xf32>
    %add3A_41 = vector.broadcast %reshape3A_40 : vector<32x1xf32> to vector<32x4096xf32>
    %add3A_42 = arith.addf %dot_general3A_36, %add3A_41 : vector<32x4096xf32>
    %get3A_43 = arith.constant 0 : index
    %get3A_44 = arith.constant 0 : index
    %get3A_45 = vector.load %arg6[%get3A_43, %get3A_44] : memref<32x16xf32, #tpu.memory_space<vmem>>, vector<32x16xf32>
    %dot_general3A_46 = arith.constant dense<0.000000e+00> : vector<32x4096xf32>
    %dot_general3A_47 = tpu.matmul %get3A_45, %slice3A_32, %dot_general3A_46 {dimension_numbers = #tpu.dot_dimension_numbers<[1], [0], [0], [1], [0, 0, 1, 1], [], []>, transpose_lhs_hint = false} : vector<32x16xf32>, vector<16x4096xf32>, vector<32x4096xf32> -> vector<32x4096xf32>
    %get3A_48 = arith.constant 0 : index
    %get3A_49 = arith.constant 0 : index
    %get3A_50 = vector.load %arg7[%get3A_48, %get3A_49] : memref<1x32xf32, #tpu.memory_space<vmem>>, vector<1x32xf32>
    %reshape3A_51 = vector.shape_cast %get3A_50 : vector<1x32xf32> to vector<32x1xf32>
    %add3A_52 = vector.broadcast %reshape3A_51 : vector<32x1xf32> to vector<32x4096xf32>
    %add3A_53 = arith.addf %dot_general3A_47, %add3A_52 : vector<32x4096xf32>
    %concatenate3A = tpu.concatenate %add3A_42, %add3A_53 in 0 : vector<32x4096xf32>, vector<32x4096xf32> -> vector<64x4096xf32>
    %mul3A_54 = vector.broadcast %reshape3A : vector<64x1xf32> to vector<64x4096xf32>
    %mul3A_55 = arith.mulf %concatenate3A, %mul3A_54 : vector<64x4096xf32>
    %add3A_56 = vector.broadcast %reshape3A_19 : vector<64x1xf32> to vector<64x4096xf32>
    %add3A_57 = arith.addf %mul3A_55, %add3A_56 : vector<64x4096xf32>
    %swap3A = arith.constant 0 : index
    %swap3A_58 = arith.constant 0 : index
    %swap3A_59 = arith.constant 0 : index
    %swap3A_60 = vector.load %arg10[%swap3A, %swap3A_58, %swap3A_59] : memref<4x64x4096xf32, #tpu.memory_space<vmem>>, vector<1x64x4096xf32>
    %swap3A_61 = vector.shape_cast %swap3A_60 : vector<1x64x4096xf32> to vector<64x4096xf32>
    %swap3A_62 = vector.shape_cast %add3A_57 : vector<64x4096xf32> to vector<1x64x4096xf32>
    tpu.vector_store %arg10[%swap3A, %swap3A_58, %swap3A_59], %swap3A_62 {strides = array<i32>} : memref<4x64x4096xf32, #tpu.memory_space<vmem>>, vector<1x64x4096xf32>,
    %slice3A_63 = vector.extract_strided_slice %get3A_25 {offsets = [0, 32], sizes = [4096, 32], strides = [1, 1]} : vector<4096x128xf32> to vector<4096x32xf32>
    %slice3A_64 = vector.extract_strided_slice %get3A_30 {offsets = [16, 0], sizes = [16, 4096], strides = [1, 1]} : vector<64x4096xf32> to vector<16x4096xf32>
    %get3A_65 = arith.constant 0 : index
    %get3A_66 = arith.constant 0 : index
    %get3A_67 = vector.load %arg4[%get3A_65, %get3A_66] : memref<32x32xf32, #tpu.memory_space<vmem>>, vector<32x32xf32>
    %dot_general3A_68 = arith.constant dense<0.000000e+00> : vector<32x4096xf32>
    %dot_general3A_69 = tpu.matmul %get3A_67, %slice3A_63, %dot_general3A_68 {dimension_numbers = #tpu.dot_dimension_numbers<[1], [1], [0], [0], [0, 0, 1, 0], [], []>, transpose_lhs_hint = false} : vector<32x32xf32>, vector<4096x32xf32>, vector<32x4096xf32> -> vector<32x4096xf32>
    %get3A_70 = arith.constant 0 : index
    %get3A_71 = arith.constant 0 : index
    %get3A_72 = vector.load %arg5[%get3A_70, %get3A_71] : memref<1x32xf32, #tpu.memory_space<vmem>>, vector<1x32xf32>
    %reshape3A_73 = vector.shape_cast %get3A_72 : vector<1x32xf32> to vector<32x1xf32>
    %add3A_74 = vector.broadcast %reshape3A_73 : vector<32x1xf32> to vector<32x4096xf32>
    %add3A_75 = arith.addf %dot_general3A_69, %add3A_74 : vector<32x4096xf32>
    %get3A_76 = arith.constant 0 : index
    %get3A_77 = arith.constant 0 : index
    %get3A_78 = vector.load %arg6[%get3A_76, %get3A_77] : memref<32x16xf32, #tpu.memory_space<vmem>>, vector<32x16xf32>
    %dot_general3A_79 = arith.constant dense<0.000000e+00> : vector<32x4096xf32>
    %dot_general3A_80 = tpu.matmul %get3A_78, %slice3A_64, %dot_general3A_79 {dimension_numbers = #tpu.dot_dimension_numbers<[1], [0], [0], [1], [0, 0, 1, 1], [], []>, transpose_lhs_hint = false} : vector<32x16xf32>, vector<16x4096xf32>, vector<32x4096xf32> -> vector<32x4096xf32>
    %get3A_81 = arith.constant 0 : index
    %get3A_82 = arith.constant 0 : index
    %get3A_83 = vector.load %arg7[%get3A_81, %get3A_82] : memref<1x32xf32, #tpu.memory_space<vmem>>, vector<1x32xf32>
    %reshape3A_84 = vector.shape_cast %get3A_83 : vector<1x32xf32> to vector<32x1xf32>
    %add3A_85 = vector.broadcast %reshape3A_84 : vector<32x1xf32> to vector<32x4096xf32>
    %add3A_86 = arith.addf %dot_general3A_80, %add3A_85 : vector<32x4096xf32>
    %concatenate3A_87 = tpu.concatenate %add3A_75, %add3A_86 in 0 : vector<32x4096xf32>, vector<32x4096xf32> -> vector<64x4096xf32>
    %mul3A_88 = vector.broadcast %reshape3A : vector<64x1xf32> to vector<64x4096xf32>
    %mul3A_89 = arith.mulf %concatenate3A_87, %mul3A_88 : vector<64x4096xf32>
    %add3A_90 = vector.broadcast %reshape3A_19 : vector<64x1xf32> to vector<64x4096xf32>
    %add3A_91 = arith.addf %mul3A_89, %add3A_90 : vector<64x4096xf32>
    %swap3A_92 = arith.constant 1 : index
    %swap3A_93 = arith.constant 0 : index
    %swap3A_94 = arith.constant 0 : index
    %swap3A_95 = vector.load %arg10[%swap3A_92, %swap3A_93, %swap3A_94] : memref<4x64x4096xf32, #tpu.memory_space<vmem>>, vector<1x64x4096xf32>
    %swap3A_96 = vector.shape_cast %swap3A_95 : vector<1x64x4096xf32> to vector<64x4096xf32>
    %swap3A_97 = vector.shape_cast %add3A_91 : vector<64x4096xf32> to vector<1x64x4096xf32>
    tpu.vector_store %arg10[%swap3A_92, %swap3A_93, %swap3A_94], %swap3A_97 {strides = array<i32>} : memref<4x64x4096xf32, #tpu.memory_space<vmem>>, vector<1x64x4096xf32>,
    %slice3A_98 = vector.extract_strided_slice %get3A_25 {offsets = [0, 64], sizes = [4096, 32], strides = [1, 1]} : vector<4096x128xf32> to vector<4096x32xf32>
    %slice3A_99 = vector.extract_strided_slice %get3A_30 {offsets = [32, 0], sizes = [16, 4096], strides = [1, 1]} : vector<64x4096xf32> to vector<16x4096xf32>
    %get3A_100 = arith.constant 0 : index
    %get3A_101 = arith.constant 0 : index
    %get3A_102 = vector.load %arg4[%get3A_100, %get3A_101] : memref<32x32xf32, #tpu.memory_space<vmem>>, vector<32x32xf32>
    %dot_general3A_103 = arith.constant dense<0.000000e+00> : vector<32x4096xf32>
    %dot_general3A_104 = tpu.matmul %get3A_102, %slice3A_98, %dot_general3A_103 {dimension_numbers = #tpu.dot_dimension_numbers<[1], [1], [0], [0], [0, 0, 1, 0], [], []>, transpose_lhs_hint = false} : vector<32x32xf32>, vector<4096x32xf32>, vector<32x4096xf32> -> vector<32x4096xf32>
    %get3A_105 = arith.constant 0 : index
    %get3A_106 = arith.constant 0 : index
    %get3A_107 = vector.load %arg5[%get3A_105, %get3A_106] : memref<1x32xf32, #tpu.memory_space<vmem>>, vector<1x32xf32>
    %reshape3A_108 = vector.shape_cast %get3A_107 : vector<1x32xf32> to vector<32x1xf32>
    %add3A_109 = vector.broadcast %reshape3A_108 : vector<32x1xf32> to vector<32x4096xf32>
    %add3A_110 = arith.addf %dot_general3A_104, %add3A_109 : vector<32x4096xf32>
    %get3A_111 = arith.constant 0 : index
    %get3A_112 = arith.constant 0 : index
    %get3A_113 = vector.load %arg6[%get3A_111, %get3A_112] : memref<32x16xf32, #tpu.memory_space<vmem>>, vector<32x16xf32>
    %dot_general3A_114 = arith.constant dense<0.000000e+00> : vector<32x4096xf32>
    %dot_general3A_115 = tpu.matmul %get3A_113, %slice3A_99, %dot_general3A_114 {dimension_numbers = #tpu.dot_dimension_numbers<[1], [0], [0], [1], [0, 0, 1, 1], [], []>, transpose_lhs_hint = false} : vector<32x16xf32>, vector<16x4096xf32>, vector<32x4096xf32> -> vector<32x4096xf32>
    %get3A_116 = arith.constant 0 : index
    %get3A_117 = arith.constant 0 : index
    %get3A_118 = vector.load %arg7[%get3A_116, %get3A_117] : memref<1x32xf32, #tpu.memory_space<vmem>>, vector<1x32xf32>
    %reshape3A_119 = vector.shape_cast %get3A_118 : vector<1x32xf32> to vector<32x1xf32>
    %add3A_120 = vector.broadcast %reshape3A_119 : vector<32x1xf32> to vector<32x4096xf32>
    %add3A_121 = arith.addf %dot_general3A_115, %add3A_120 : vector<32x4096xf32>
    %concatenate3A_122 = tpu.concatenate %add3A_110, %add3A_121 in 0 : vector<32x4096xf32>, vector<32x4096xf32> -> vector<64x4096xf32>
    %mul3A_123 = vector.broadcast %reshape3A : vector<64x1xf32> to vector<64x4096xf32>
    %mul3A_124 = arith.mulf %concatenate3A_122, %mul3A_123 : vector<64x4096xf32>
    %add3A_125 = vector.broadcast %reshape3A_19 : vector<64x1xf32> to vector<64x4096xf32>
    %add3A_126 = arith.addf %mul3A_124, %add3A_125 : vector<64x4096xf32>
    %swap3A_127 = arith.constant 2 : index
    %swap3A_128 = arith.constant 0 : index
    %swap3A_129 = arith.constant 0 : index
    %swap3A_130 = vector.load %arg10[%swap3A_127, %swap3A_128, %swap3A_129] : memref<4x64x4096xf32, #tpu.memory_space<vmem>>, vector<1x64x4096xf32>
    %swap3A_131 = vector.shape_cast %swap3A_130 : vector<1x64x4096xf32> to vector<64x4096xf32>
    %swap3A_132 = vector.shape_cast %add3A_126 : vector<64x4096xf32> to vector<1x64x4096xf32>
    tpu.vector_store %arg10[%swap3A_127, %swap3A_128, %swap3A_129], %swap3A_132 {strides = array<i32>} : memref<4x64x4096xf32, #tpu.memory_space<vmem>>, vector<1x64x4096xf32>,
    %slice3A_133 = vector.extract_strided_slice %get3A_25 {offsets = [0, 96], sizes = [4096, 32], strides = [1, 1]} : vector<4096x128xf32> to vector<4096x32xf32>
    %slice3A_134 = vector.extract_strided_slice %get3A_30 {offsets = [48, 0], sizes = [16, 4096], strides = [1, 1]} : vector<64x4096xf32> to vector<16x4096xf32>
    %get3A_135 = arith.constant 0 : index
    %get3A_136 = arith.constant 0 : index
    %get3A_137 = vector.load %arg4[%get3A_135, %get3A_136] : memref<32x32xf32, #tpu.memory_space<vmem>>, vector<32x32xf32>
    %dot_general3A_138 = arith.constant dense<0.000000e+00> : vector<32x4096xf32>
    %dot_general3A_139 = tpu.matmul %get3A_137, %slice3A_133, %dot_general3A_138 {dimension_numbers = #tpu.dot_dimension_numbers<[1], [1], [0], [0], [0, 0, 1, 0], [], []>, transpose_lhs_hint = false} : vector<32x32xf32>, vector<4096x32xf32>, vector<32x4096xf32> -> vector<32x4096xf32>
    %get3A_140 = arith.constant 0 : index
    %get3A_141 = arith.constant 0 : index
    %get3A_142 = vector.load %arg5[%get3A_140, %get3A_141] : memref<1x32xf32, #tpu.memory_space<vmem>>, vector<1x32xf32>
    %reshape3A_143 = vector.shape_cast %get3A_142 : vector<1x32xf32> to vector<32x1xf32>
    %add3A_144 = vector.broadcast %reshape3A_143 : vector<32x1xf32> to vector<32x4096xf32>
    %add3A_145 = arith.addf %dot_general3A_139, %add3A_144 : vector<32x4096xf32>
    %get3A_146 = arith.constant 0 : index
    %get3A_147 = arith.constant 0 : index
    %get3A_148 = vector.load %arg6[%get3A_146, %get3A_147] : memref<32x16xf32, #tpu.memory_space<vmem>>, vector<32x16xf32>
    %dot_general3A_149 = arith.constant dense<0.000000e+00> : vector<32x4096xf32>
    %dot_general3A_150 = tpu.matmul %get3A_148, %slice3A_134, %dot_general3A_149 {dimension_numbers = #tpu.dot_dimension_numbers<[1], [0], [0], [1], [0, 0, 1, 1], [], []>, transpose_lhs_hint = false} : vector<32x16xf32>, vector<16x4096xf32>, vector<32x4096xf32> -> vector<32x4096xf32>
    %get3A_151 = arith.constant 0 : index
    %get3A_152 = arith.constant 0 : index
    %get3A_153 = vector.load %arg7[%get3A_151, %get3A_152] : memref<1x32xf32, #tpu.memory_space<vmem>>, vector<1x32xf32>
    %reshape3A_154 = vector.shape_cast %get3A_153 : vector<1x32xf32> to vector<32x1xf32>
    %add3A_155 = vector.broadcast %reshape3A_154 : vector<32x1xf32> to vector<32x4096xf32>
    %add3A_156 = arith.addf %dot_general3A_150, %add3A_155 : vector<32x4096xf32>
    %concatenate3A_157 = tpu.concatenate %add3A_145, %add3A_156 in 0 : vector<32x4096xf32>, vector<32x4096xf32> -> vector<64x4096xf32>
    %mul3A_158 = vector.broadcast %reshape3A : vector<64x1xf32> to vector<64x4096xf32>
    %mul3A_159 = arith.mulf %concatenate3A_157, %mul3A_158 : vector<64x4096xf32>
    %add3A_160 = vector.broadcast %reshape3A_19 : vector<64x1xf32> to vector<64x4096xf32>
    %add3A_161 = arith.addf %mul3A_159, %add3A_160 : vector<64x4096xf32>
    %swap3A_162 = arith.constant 3 : index
    %swap3A_163 = arith.constant 0 : index
    %swap3A_164 = arith.constant 0 : index
    %swap3A_165 = vector.load %arg10[%swap3A_162, %swap3A_163, %swap3A_164] : memref<4x64x4096xf32, #tpu.memory_space<vmem>>, vector<1x64x4096xf32>
    %swap3A_166 = vector.shape_cast %swap3A_165 : vector<1x64x4096xf32> to vector<64x4096xf32>
    %swap3A_167 = vector.shape_cast %add3A_161 : vector<64x4096xf32> to vector<1x64x4096xf32>
    tpu.vector_store %arg10[%swap3A_162, %swap3A_163, %swap3A_164], %swap3A_167 {strides = array<i32>} : memref<4x64x4096xf32, #tpu.memory_space<vmem>>, vector<1x64x4096xf32>,
    return
  }
  func.func @transform_0(%arg0: i32) -> (i32, i32) {
    %c0_i32 = arith.constant 0 : i32
    %c0_i32_0 = arith.constant 0 : i32
    %c0_i32_1 = arith.constant 0 : i32
    return %c0_i32, %c0_i32_0 : i32, i32
  }
  func.func @transform_1(%arg0: i32) -> (i32, i32, i32, i32) {
    %jit3A = arith.constant 3 : i32
    %div3A = arith.divsi %arg0, %jit3A : i32
    %sign3A = arith.constant 0 : i32
    %sign3A_0 = arith.cmpi sgt, %arg0, %sign3A : i32
    %sign3A_1 = arith.extui %sign3A_0 : i1 to i32
    %sign3A_2 = arith.constant 0 : i32
    %sign3A_3 = arith.cmpi slt, %arg0, %sign3A_2 : i32
    %sign3A_4 = arith.extui %sign3A_3 : i1 to i32
    %sign3A_5 = arith.subi %sign3A_1, %sign3A_4 : i32
    %sign3A_6 = arith.constant 0 : i32
    %sign3A_7 = arith.cmpi sgt, %jit3A, %sign3A_6 : i32
    %sign3A_8 = arith.extui %sign3A_7 : i1 to i32
    %sign3A_9 = arith.constant 0 : i32
    %sign3A_10 = arith.cmpi slt, %jit3A, %sign3A_9 : i32
    %sign3A_11 = arith.extui %sign3A_10 : i1 to i32
    %sign3A_12 = arith.subi %sign3A_8, %sign3A_11 : i32
    %ne3A = arith.cmpi ne, %sign3A_5, %sign3A_12 : i32
    %rem3A = arith.remsi %arg0, %jit3A : i32
    %ne3A_13 = arith.constant 0 : i32
    %ne3A_14 = arith.cmpi ne, %rem3A, %ne3A_13 : i32
    %and3A = arith.andi %ne3A, %ne3A_14 : i1
    %sub3A = arith.constant 1 : i32
    %sub3A_15 = arith.subi %div3A, %sub3A : i32
    %select_n3A = arith.select %and3A, %sub3A_15, %div3A : i32
    %jit3A_16 = arith.constant 3 : i32
    %eq3A = arith.constant 0 : i32
    %eq3A_17 = arith.cmpi eq, %jit3A_16, %eq3A : i32
    %jit3A_18 = arith.constant 1 : i32
    %select_n3A_19 = arith.select %eq3A_17, %jit3A_18, %jit3A_16 : i32
    %rem3A_20 = arith.remsi %arg0, %select_n3A_19 : i32
    %ne3A_21 = arith.constant 0 : i32
    %ne3A_22 = arith.cmpi ne, %rem3A_20, %ne3A_21 : i32
    %lt3A = arith.constant 0 : i32
    %lt3A_23 = arith.cmpi slt, %rem3A_20, %lt3A : i32
    %lt3A_24 = arith.constant 0 : i32
    %lt3A_25 = arith.cmpi slt, %select_n3A_19, %lt3A_24 : i32
    %ne3A_26 = arith.xori %lt3A_23, %lt3A_25 : i1
    %and3A_27 = arith.andi %ne3A_26, %ne3A_22 : i1
    %add3A = arith.addi %rem3A_20, %select_n3A_19 : i32
    %select_n3A_28 = arith.select %and3A_27, %add3A, %rem3A_20 : i32
    %c0_i32 = arith.constant 0 : i32
    %c0_i32_29 = arith.constant 0 : i32
    %c0_i32_30 = arith.constant 0 : i32
    return %select_n3A, %select_n3A_28, %c0_i32, %c0_i32_29 : i32, i32, i32, i32
  }
  func.func @transform_2(%arg0: i32) -> (i32, i32, i32) {
    %c0_i32 = arith.constant 0 : i32
    %c0_i32_0 = arith.constant 0 : i32
    %c0_i32_1 = arith.constant 0 : i32
    return %arg0, %c0_i32, %c0_i32_0 : i32, i32, i32
  }
  func.func @transform_3(%arg0: i32) -> (i32, i32) {
    %c0_i32 = arith.constant 0 : i32
    %c0_i32_0 = arith.constant 0 : i32
    %c0_i32_1 = arith.constant 0 : i32
    return %c0_i32, %c0_i32_0 : i32, i32
  }
  func.func @transform_4(%arg0: i32) -> (i32, i32) {
    %c0_i32 = arith.constant 0 : i32
    %c0_i32_0 = arith.constant 0 : i32
    %c0_i32_1 = arith.constant 0 : i32
    return %c0_i32, %c0_i32_0 : i32, i32
  }
  func.func @transform_5(%arg0: i32) -> (i32, i32) {
    %c0_i32 = arith.constant 0 : i32
    %c0_i32_0 = arith.constant 0 : i32
    %c0_i32_1 = arith.constant 0 : i32
    return %c0_i32, %c0_i32_0 : i32, i32
  }
  func.func @transform_6(%arg0: i32) -> (i32, i32) {
    %c0_i32 = arith.constant 0 : i32
    %c0_i32_0 = arith.constant 0 : i32
    %c0_i32_1 = arith.constant 0 : i32
    return %c0_i32, %c0_i32_0 : i32, i32
  }
  func.func @transform_7(%arg0: i32) -> (i32, i32) {
    %c0_i32 = arith.constant 0 : i32
    %c0_i32_0 = arith.constant 0 : i32
    %c0_i32_1 = arith.constant 0 : i32
    return %c0_i32, %c0_i32_0 : i32, i32
  }
  func.func @transform_8(%arg0: i32) -> (i32, i32) {
    %c0_i32 = arith.constant 0 : i32
    %c0_i32_0 = arith.constant 0 : i32
    %c0_i32_1 = arith.constant 0 : i32
    return %c0_i32, %c0_i32_0 : i32, i32
  }
  func.func @transform_9(%arg0: i32) -> (i32, i32, i32) {
    %c0_i32 = arith.constant 0 : i32
    %c0_i32_0 = arith.constant 0 : i32
    %c0_i32_1 = arith.constant 0 : i32
    return %arg0, %c0_i32, %c0_i32_0 : i32, i32, i32
  }
}

</mosaic_0001>

<sc_bundles>
// kernel: kernel.5.cloned.1.call-start
scs
__scs_entry_jumppad:
0x0: {  	(pc) =	sbr.rel $0x88, $3  }
0x1: {  	(tag) =	ssettag $0x0;
	lr =	simm.s32 $0x1  }
0x2: {  	[smem:$0x3F98] =	sst lr;
	_ =	strace $0xD0000000  }
0x3: {  	_ = 	snop  }
0x4: {  	_ = 	snop  }
0x5: {  	_ = 	snop  }
0x6: {  	_ = 	snop  }
0x7: {  	_ = 	snop  }
__scs_overlays_trampoline_lowered:
0x8: {  	[smem:$0x3FA7] =	sst s0  }
0x9: {  	[smem:$0x3FA8] =	sst s1  }
0xa: {  	[smem:$0x3FA9] =	sst s2  }
0xb: {  	[smem:$0x3FAA] =	sst s3  }
0xc: {  	[smem:$0x3FAB] =	sst s4  }
0xd: {  	[smem:$0x3FAC] =	sst s5  }
0xe: {  	[smem:$0x3FAD] =	sst s6  }
0xf: {  	[smem:$0x3FAE] =	sst s7  }
0x10: {  	[smem:$0x3FAF] =	sst s8  }
0x11: {  	[smem:$0x3FB0] =	sst s9;
	s0 =	simm.s32 @!p0 $0x0  }
0x12: {  	s1 =	sld [smem:$0x3F96];
	s0 =	simm.s32 @p0 $0x1  }
0x13: {  	[smem:$0x3FB1] =	sst s0;
	s0 =	simm.s32 @!p1 $0x0  }
0x14: {  	s2 =	sld [smem:$0x3F95];
	s0 =	simm.s32 @p1 $0x1  }
0x15: {  	[smem:$0x3FB2] =	sst s0;
	s0 =	simm.s32 @!p2 $0x0  }
0x16: {  	s3 =	sld [smem:$0x3FDB];
	s0 =	simm.s32 @p2 $0x1  }
0x17: {  	s4 =	simm.s32 $0x1BF5;
	[smem:$0x3FB4] =	sst s0  }
0x18: {  	s0 =	sld [smem:$0x3F97];
	_ =	swait.ge [sflag:s4], $0x0  }
0x19: {  	s7 =	sld [smem:$0x3F98]  }
0x1a: {  	s8 =	sadd.s32 $0xFFFFE003, lr  }
0x1b: {  	s9 =	sadd.s32 $0xFFFFFEF7, lr;
	s5 =	simm.s32 $0xFFFFFFFF;
	p2 =	slt.u32 s8, $0xFFFFF086  }
0x1c: {  	p1 =	slt.u32 s9, $0xF7A;
	s5 =	simm.s32 @!p2 $0x0  }
0x1d: {  	s5 =	simm.s32 @p1 $0x1;
	p0 =	seq.s32 s7, s2  }
0x1e: {  	s7 =	smul.u32 @!p0 $0xF7A, s2;
	p2 =	seq.s32 @!p0 s5, $0x0  }
0x1f: {  	s9 =	smul.u32 $0xF7A, s1;
	s8 =	simm.s32 @!p0 $0x1BF5;
	p2 =	por !p2, p0  }
0x20: {  	[sflag:s8] =	ssyncset.s32 @!p0 $0xFFFFF086;
	s6 =	sadd.s32 @!p0 s3, s7;
	s7 =	simm.s32 @!p0 $0x108  }
0x21: {  	s3 =	sadd.s32 s3, s9;
	s6 =	sadd.s32 @!p0 $0x88, s6;
	s7 =	simm.s32 @p2 $0x1082  }
0x22: {  	[simem:s7], [sflag:s8] =	dma.local @!p0 [hbm:s6], $0xF7A  }
0x23: {  	s9 =	sor.u32 $0xD0000000, s2;
	s6 =	simm.s32 $0x108;
	_ =	swait.ge @!p0 [sflag:s8], $0x0  }
0x24: {  	s3 =	sadd.s32 $0x88, s3;
	s6 =	simm.s32 @!p1 $0x1082;
	[sflag:s4] =	ssyncset.s32 $0xFFFFF086  }
0x25: {  	[simem:s6], [sflag:s4] =	dma.local [hbm:s3], $0xF7A  }
0x26: {  	[smem:$0x3F98] =	sst s1;
	(tag) =	ssettag s2;
	_ =	strace s9  }
0x27: {  	s1 =	sld [smem:$0x3FA8]  }
0x28: {  	s2 =	sld [smem:$0x3FA9]  }
0x29: {  	s4 =	sld [smem:$0x3FAB]  }
0x2a: {  	p0 =	seq.s32 s5, $0x0;
	s5 =	sld [smem:$0x3FAC]  }
0x2b: {  	s6 =	sld [smem:$0x3FAD]  }
0x2c: {  	s7 =	sld [smem:$0x3FAE]  }
0x2d: {  	s3 =	simm.s32 $0x108;
	s8 =	sld [smem:$0x3FAF]  }
0x2e: {  	s3 =	simm.s32 @!p0 $0x1082;
	s9 =	sld [smem:$0x3FB0]  }
0x2f: {  	lr =	sadd.s32 s0, s3;
	s0 =	sld [smem:$0x3FA7]  }
0x30: {  	s3 =	sld [smem:$0x3FAA]  }
0x31: {  	[smem:$0x3FB3] =	sst s10  }
0x32: {  	s10 =	sld [smem:$0x3FB1];
	_ =	sdelay $0x3  }
0x33: {  	p0 =	seq.s32 s10, $0x1;
	s10 =	sld [smem:$0x3FB3];
	_ =	sdelay $0x3  }
0x34: {  	[smem:$0x3FB3] =	sst s10  }
0x35: {  	s10 =	sld [smem:$0x3FB2];
	_ =	sdelay $0x3  }
0x36: {  	p1 =	seq.s32 s10, $0x1;
	s10 =	sld [smem:$0x3FB3];
	_ =	sdelay $0x3  }
0x37: {  	[smem:$0x3FB3] =	sst s10  }
0x38: {  	s10 =	sld [smem:$0x3FB4]  }
0x39: {  	_ = 	snop;
	(pc) =	sbr.ind lr, $3  }
0x3a: {  	_ = 	snop  }
0x3b: {  	_ = 	snop  }
0x3c: {  	p2 =	seq.s32 s10, $0x1;
	s10 =	sld [smem:$0x3FB3]  }
0x3d: {  	_ =	shalt  }
0x3e: {  	_ =	shalt  }
0x3f: {  	_ =	shalt  }
0x40: {  	_ =	shalt  }
0x41: {  	_ =	shalt  }
0x42: {  	_ =	shalt  }
0x43: {  	_ =	shalt  }
0x44: {  	_ =	shalt  }
0x45: {  	_ =	shalt  }
0x46: {  	_ =	shalt  }
0x47: {  	_ =	shalt  }
0x48: {  	_ =	shalt  }
0x49: {  	_ =	shalt  }
0x4a: {  	_ =	shalt  }
0x4b: {  	_ =	shalt  }
0x4c: {  	_ =	shalt  }
0x4d: {  	_ =	shalt  }
0x4e: {  	_ =	shalt  }
0x4f: {  	_ =	shalt  }
0x50: {  	_ =	shalt  }
0x51: {  	_ =	shalt  }
0x52: {  	_ =	shalt  }
0x53: {  	_ =	shalt  }
0x54: {  	_ =	shalt  }
0x55: {  	_ =	shalt  }
0x56: {  	_ =	shalt  }
0x57: {  	_ =	shalt  }
0x58: {  	_ =	shalt  }
0x59: {  	_ =	shalt  }
0x5a: {  	_ =	shalt  }
0x5b: {  	_ =	shalt  }
0x5c: {  	_ =	shalt  }
0x5d: {  	_ =	shalt  }
0x5e: {  	_ =	shalt  }
0x5f: {  	_ =	shalt  }
0x60: {  	_ =	shalt  }
0x61: {  	_ =	shalt  }
0x62: {  	_ =	shalt  }
0x63: {  	_ =	shalt  }
0x64: {  	_ =	shalt  }
0x65: {  	_ =	shalt  }
0x66: {  	_ =	shalt  }
0x67: {  	_ =	shalt  }
0x68: {  	_ =	shalt  }
0x69: {  	_ =	shalt  }
0x6a: {  	_ =	shalt  }
0x6b: {  	_ =	shalt  }
0x6c: {  	_ =	shalt  }
0x6d: {  	_ =	shalt  }
0x6e: {  	_ =	shalt  }
0x6f: {  	_ =	shalt  }
0x70: {  	_ =	shalt  }
0x71: {  	_ =	shalt  }
0x72: {  	_ =	shalt  }
0x73: {  	_ =	shalt  }
0x74: {  	_ =	shalt  }
0x75: {  	_ =	shalt  }
0x76: {  	_ =	shalt  }
0x77: {  	_ =	shalt  }
0x78: {  	_ =	shalt  }
0x79: {  	_ =	shalt  }
0x7a: {  	_ =	shalt  }
0x7b: {  	_ =	shalt  }
0x7c: {  	_ =	shalt  }
0x7d: {  	_ =	shalt  }
0x7e: {  	_ =	shalt  }
0x7f: {  	_ =	shalt  }
0x80: {  	_ =	shalt  }
0x81: {  	_ =	shalt  }
0x82: {  	_ =	shalt  }
0x83: {  	_ =	shalt  }
0x84: {  	_ =	shalt  }
0x85: {  	_ =	shalt  }
0x86: {  	_ =	shalt  }
0x87: {  	_ =	shalt  }
.Lfunc_end0:
.L_simem_size_0:
called_computation_lowered:
.L_overlay_start_0:
0x88: {  	s2 =	sld [smem:$0x3FD9]  }
0x89: {  	s3 =	sld [smem:$0x3FFE];
	_ =	sdelay $0x1  }
0x8a: {  	s1 =	srdreg.scid  }
0x8b: {  	s0 =	sand.u32 $0x1, s1  }
0x8c: {  	s17 =	sshll.u32 s0, $0xA;
	s2 =	sadd.s32 s3, s2  }
0x8d: {  	s2 =	sadd.s32 s2, s17  }
0x8e: {  	[smem:$0x3FBF] =	sst s2  }
0x8f: {  	_ = 	snop  }
0x90: {  	s2 =	sld [smem:$0x3FD0];
	(tm) =	ssettm $0x1  }
0x91: {  	s18 =	sld [smem:$0x3FFB];
	_ =	sdelay $0x3  }
0x92: {  	_ =	strace s18  }
0x93: {  	s3 =	sld [smem:$0x3FFC];
	_ =	sdelay $0x3  }
0x94: {  	_ =	strace s3  }
0x95: {  	s3 =	sld [smem:$0x3FFD];
	_ =	sdelay $0x3  }
0x96: {  	_ =	strace s3  }
0x97: {  	_ =	strace $0x8FFFFFFF  }
0x98: {  	s19 =	sld [smem:$0x3FDB];
	_ =	sdelay $0x1  }
0x99: {  	s4 =	simm.s32 $_scs_section_size  }
0x9a: {  	s5 =	simm.s32 $_size__tile_overlayer_lowered;
	s6 =	simm.s32 $_tile_overlayer_lowered  }
0x9b: {  	s22 =	simm.s32 $0x1BFF;
	s21 =	sshll.u32 s6, $0x1;
	s3 =	sadd.s32 s4, s19  }
0x9c: {  	s7 =	simm.s32 $0x0;
	s20 =	sshll.u32 s5, $0x1;
	s5 =	sadd.s32 s21, s3  }
0x9d: {  	[timem:s7], [sflag:s22] =	dma.local [hbm:s5], s20  }
0x9e: {  	_ =	swait.ge [sflag:s22], s20  }
0x9f: {  	s4 =	ssub.s32 $0x0, s20;
	[sflag:s22] =	ssyncset.done $0x0  }
0xa0: {  	[sflag:s22] =	ssyncadd.s32 s4;
	_ =	sdelay $0x1  }
0xa1: {  	s23 =	simm.s32 $0x1B8B  }
0xa2: {  	_ =	swait.ge [sflag:s23], $0x1  }
0xa3: {  	[sflag:s23] =	ssyncset.done $0x0  }
0xa4: {  	s25 =	simm.s32 $0x1B8E;
	s24 =	sld [smem:$0x3FFE];
	[sflag:s23] =	ssyncadd.s32 $0xFFFFFFFF  }
0xa5: {  	s26 =	simm.s32 $execute0_lowered;
	[smem:$0x3FD2] =	sst s25  }
0xa6: {  	s5 =	sshll.u32 s26, $0x1;
	_ =	strace $0x80000046;
	[dreg:$0x1] =	wrdreg $0xFFFFFFFF  }
0xa7: {  	s28 =	simm.s32 $_size_execute0_lowered;
	s3 =	sadd.s32 s3, s5;
	[dreg:$0x0] =	wrdreg $0x0  }
0xa8: {  	s5 =	sshll.u32 s28, $0x1;
	[dreg:$0x2] =	wrdreg s3  }
0xa9: {  	[dreg:$0x3] =	wrdreg s5  }
0xaa: {  	[dreg:$0x4] =	wrdreg $0xC0  }
0xab: {  	_ =	task [dreg:s7], $0x5FFFF  }
0xac: {  	[dreg:$0x1] =	wrdreg $0xFFFFFFFF  }
0xad: {  	[dreg:$0x0] =	wrdreg $0x60  }
0xae: {  	[dreg:$0x2] =	wrdreg s24  }
0xaf: {  	[dreg:$0x3] =	wrdreg s2  }
0xb0: {  	[dreg:$0x4] =	wrdreg $0x71000  }
0xb1: {  	[dreg:$0x5] =	wrdreg $0x9  }
0xb2: {  	_ =	task.clear_ibuf [dreg:s7], $0x6FFFF;
	_ =	strace $0x90000046  }
0xb3: {  	s29 =	simm.s32 $0x9;
	_ =	strace $0x80000048  }
0xb4: {  	_ =	swait.ge [sflag:s29], $0x1  }
0xb5: {  	[sflag:s29] =	ssyncadd.s32 $0xFFFFFFFF  }
0xb6: {  	_ =	strace $0x90000048  }
0xb7: {  	_ =	sfence  }
0xb8: {  	s30 =	sld [smem:$0x0];
	_ =	sdelay $0x2  }
0xb9: {  	s31 =	sshll.u32 s1, $0xD;
	s1 =	sshrl.u32 s1, $0x2  }
0xba: {  	s3 =	sand.u32 $0x4000, s31;
	s1 =	sadd.s32 s1, s30  }
0xbb: {  	s0 =	sor.u32 s3, s0;
	s1 =	sshll.u32 s1, $0x11  }
0xbc: {  	s0 =	sor.u32 s1, s0  }
0xbd: {  	s0 =	sadd.s32 $0x8F2B, s0  }
0xbe: {  	[sflag:s0] =	ssyncadd.remote.s32 $0x1  }
0xbf: {  	_ =	sfence.sel $0xFFFF  }
0xc0: {  	[dreg:$0x0] =	wrdreg $0xFFFFFFFF;
	(pc) =	sbr.abs _section_cstart, $3  }
0xc1: {  	[dreg:$0x1] =	wrdreg $0xFFFFFFFF  }
0xc2: {  	_ =	task.clear_ibuf [dreg:s7], $0x2FFFF;
	_ =	strace $0x9FFFFFFF  }
0xc3: {  	(tm) =	ssettm $0x7FFFFFFF  }
tec
execute0_lowered:
.L_overlay_start_1:
0x0: {  	(tag) =	ssettag $0x1  }
0x1: {  	s0 =	rddreg [dreg:$0x0]  }
0x2: {  	s11 =	rddreg [dreg:$0x1]  }
0x3: {  	s1 =	rddreg [dreg:$0x2];
	s2 =	simm.s32 $0x0;
	s4 =	srdreg.scid  }
0x4: {  	s18 =	simm.s32 $0x1;
	s19 =	simm.s32 $0x2000;
	s20 =	simm.s32 $0x2080  }
0x5: {  	s21 =	simm.s32 $0x3100;
	s22 =	simm.s32 $0x2;
	s10 =	sand.u32 $0x1, s4  }
0x6: {  	s23 =	simm.s32 $0x80;
	[smem:$0x7FF] =	sst s2;
	s7 =	smul.u32 $0xC390, s10  }
0x7: {  	s24 =	simm.s32 $0x0;
	s4 =	stileid.u32;
	s14 =	smul.u32 $0x124F800, s10  }
0x8: {  	s3 =	sadd.s32 $0x1800, s0;
	s5 =	sadd.s32 $0x4A00, s0;
	s15 =	smul.u32 $0x3800, s4  }
0x9: {  	s6 =	sadd.s32 $0x7C00, s0;
	s29 =	ssub.s32 $0x2, s10;
	s10 =	smul.u32 $0x3, s10  }
0xa: {  	_ =	strace $0x80000047;
	s30 =	sshll.u32 s4, $0xF;
	s16 =	smul.u32 $0x70, s4  }
.Ltmp0:
0xb: {  	s12 =	sshll.u32 s4, $0xC;
	s8 =	sshrl.u32 s29, $0x1;
	(pc) =	sbr.rel .LBB2_1-.Ltmp0, $4  }
0xc: {  	s11 =	sadd.s32 s11, s12;
	s0 =	ssub.s32 s29, s8;
	s8 =	sadd.s32 s30, s1  }
0xd: {  	s9 =	sadd.s32 $0x619000, s14;
	s31 =	sadd.s32 s15, s14;
	s0 =	smax.u32 s0, $0x1  }
0xe: {  	s13 =	sadd.s32 $0x2000, s8;
	[dreg:$0x4] =	wrdreg s0;
	s0 =	sshrl.u32 s31, $0x3  }
0xf: {  	v0 =	vimm.f32 $0.0e+00;
	v1 =	vimm.s32 $0x1000;
	s14 =	sadd.s32 $0x4000, s8;
	s15 =	sadd.s32 $0x6000, s8;
	s17 =	sadd.s32 s0, s6  }
.LBB2_18:
0x10: {  	s24 =	sadd.s32 $0x1, s24;
	s0 =	rddreg [dreg:$0x4]  }
0x11: {  	p0 =	sne.s32 s24, s0  }
.Ltmp1:
0x12: {  	_ = 	snop;
	(pc) =	sbr.rel @!p0 .LBB2_19-.Ltmp1, $1  }
0x13: {  	_ =	sdelay $0x3  }
.LBB2_1:
0x14: {  	s0 =	simm.s32 $0x0;
	s25 =	simm.s32 $0x200  }
.LBB2_2:
0x15: {  	p0 =	sne.s32 s25, $0x7E00;
	[tilespmem:s0+$0x70] =	vst v0  }
0x16: {  	[tilespmem:s0+$0x0] =	vst v0  }
0x17: {  	[tilespmem:s0+$0x10] =	vst v0  }
.Ltmp2:
0x18: {  	[tilespmem:s0+$0x20] =	vst v0;
	(pc) =	sbr.rel @p0 .LBB2_2-.Ltmp2, $4  }
0x19: {  	[tilespmem:s0+$0x30] =	vst v0  }
0x1a: {  	[tilespmem:s0+$0x40] =	vst v0  }
0x1b: {  	[tilespmem:s0+$0x50] =	vst v0  }
0x1c: {  	[tilespmem:s0+$0x60] =	vst v0;
	s0 =	sshra.s32 s25, $0x2;
	s25 =	sadd.s32 $0x200, s25  }
0x1d: {  	[tilespmem:s0+$0x70] =	vst v0  }
0x1e: {  	[tilespmem:s0+$0x0] =	vst v0  }
0x1f: {  	[tilespmem:s0+$0x10] =	vst v0  }
0x20: {  	[tilespmem:s0+$0x20] =	vst v0  }
0x21: {  	[tilespmem:s0+$0x30] =	vst v0  }
0x22: {  	[tilespmem:s0+$0x40] =	vst v0  }
0x23: {  	[tilespmem:s0+$0x50] =	vst v0  }
0x24: {  	[tilespmem:s0+$0x60] =	vst v0;
	s25 =	simm.s32 $0x0  }
0x25: {  	[spmem:s8] =	stream.linear.scatter [tilespmem:s25], [sflag:$0x1], $0x2000, $0x38;
	[tilespmem:$0xF140] =	vst v63  }
0x26: {  	_ =	swait.ge [sflag:s18], $0x2000  }
0x27: {  	[sflag:s18] =	ssyncset.done $0x0  }
0x28: {  	[sflag:s18] =	ssyncadd.s32 $0xFFFFE000  }
0x29: {  	[spmem:s13] =	stream.linear.scatter [tilespmem:s25], [sflag:$0x1], $0x2000, $0x38;
	[tilespmem:$0xF140] =	vst v63  }
0x2a: {  	_ =	swait.ge [sflag:s18], $0x2000  }
0x2b: {  	[sflag:s18] =	ssyncset.done $0x0  }
0x2c: {  	[sflag:s18] =	ssyncadd.s32 $0xFFFFE000  }
0x2d: {  	[spmem:s14] =	stream.linear.scatter [tilespmem:s25], [sflag:$0x1], $0x2000, $0x38;
	[tilespmem:$0xF140] =	vst v63  }
0x2e: {  	_ =	swait.ge [sflag:s18], $0x2000  }
0x2f: {  	[sflag:s18] =	ssyncset.done $0x0  }
.Ltmp3:
0x30: {  	[sflag:s18] =	ssyncadd.s32 $0xFFFFE000;
	(pc) =	sbr.rel .LBB2_4-.Ltmp3, $4  }
0x31: {  	[spmem:s15] =	stream.linear.scatter [tilespmem:s25], [sflag:$0x1], $0x2000, $0x38;
	[tilespmem:$0xF140] =	vst v63  }
0x32: {  	_ =	swait.ge [sflag:s18], $0x2000  }
0x33: {  	[sflag:s18] =	ssyncset.done $0x0  }
0x34: {  	s26 =	simm.s32 $0x2100;
	s28 =	smov.u32 s16;
	[sflag:s18] =	ssyncadd.s32 $0xFFFFE000  }
.LBB2_8:
0x35: {  	s25 =	sadd.s32 $0x1, s25  }
0x36: {  	p0 =	sne.s32 s25, $0x1C  }
.Ltmp4:
0x37: {  	_ = 	snop;
	(pc) =	sbr.rel @!p0 .LBB2_9-.Ltmp4, $2  }
0x38: {  	_ =	sdelay $0x2  }
0x39: {  	s26 =	sadd.s32 $0x80, s26;
	s28 =	sadd.s32 $0x700, s28  }
.LBB2_4:
0x3a: {  	s0 =	sshll.u32 s25, $0x4  }
0x3b: {  	s0 =	sor.u32 s4, s0  }
0x3c: {  	p0 =	sgt.u32 s0, $0x1BE  }
.Ltmp5:
0x3d: {  	_ = 	snop;
	(pc) =	sbr.rel @p0 .LBB2_8-.Ltmp5, $1  }
0x3e: {  	_ =	sdelay $0x3  }
0x3f: {  	s0 =	smul.u32 $0x70, s0;
	_ =	sdelay $0x1  }
0x40: {  	s0 =	sadd.s32 s7, s0  }
0x41: {  	s0 =	sshrl.u32 s0, $0x3  }
0x42: {  	s30 =	simm.s32 $0x0;
	s29 =	sadd.s32 s3, s0  }
0x43: {  	[tilespmem:s19], [sflag:$0x1] =	stream.linear.gather [hbm4b:s29+s30], $0x70, $0x38;
	[tilespmem:$0xF140] =	vst v63  }
0x44: {  	_ =	swait.ge [sflag:s18], $0x70  }
0x45: {  	[sflag:s18] =	ssyncset.done $0x0  }
0x46: {  	s0 =	sadd.s32 s5, s0;
	[sflag:s18] =	ssyncadd.s32 $0xFFFFFF90  }
0x47: {  	[tilespmem:s20], [sflag:$0x1] =	stream.linear.gather [hbm4b:s0+s30], $0x70, $0x38;
	[tilespmem:$0xF140] =	vst v63  }
0x48: {  	_ =	swait.ge [sflag:s18], $0x70  }
0x49: {  	[sflag:s18] =	ssyncset.done $0x0  }
0x4a: {  	s31 =	simm.s32 $0x0;
	[sflag:s18] =	ssyncadd.s32 $0xFFFFFF90  }
0x4b: {  	v2 =	vld [tilespmem:s31+$0x2000]  }
0x4c: {  	v3 =	vld [tilespmem:s31+$0x2080];
	_ =	sdelay $0x3  }
0x4d: {  	v2 =	vmul.f32 $6.400000000e+01, v2  }
0x4e: {  	v3 =	vmul.f32 $6.400000000e+01, v3  }
0x4f: {  	v2 =	vtrunc.f32 v2  }
0x50: {  	v4 =	vcvt.f32.s32 v2;
	v2 =	vtrunc.f32 v3  }
0x51: {  	v3 =	vcvt.f32.s32 v2  }
0x52: {  	vm0 =	vgt.s32 v4, $0x0  }
0x53: {  	v2 =	vmov s26;
	v4 =	vnsel vm0, $0x0, v4;
	vm15 =	vgt.s32 v3, $0x0  }
0x54: {  	v4 =	vmin.u32 v4, $0x3F;
	v3 =	vnsel vm15, $0x0, v3  }
0x55: {  	v3 =	vmin.u32 v3, $0x3F;
	v4 =	vshll.u32 v4, $0x6  }
0x56: {  	p0 =	slt.u32 s28, $0xC350;
	s12 =	sshll.u32 s25, $0x7;
	v3 =	vor.u32 v3, v4  }
0x57: {  	s29 =	sand.u32 $0x3FFFFF80, s12;
	v3 =	vpsel !p0, $0x1000, v3  }
0x58: {  	s30 =	simm.s32 $0x10;
	s0 =	simm.s32 $0x80;
	[tilespmem:v2+s31+$0x0 ss:$0x1] =	vst.idx.msk $0xffff, v3;
	s31 =	smov.u32 s28  }
.LBB2_6:
0x59: {  	p0 =	sne.s32 s0, $0x180;
	v3 =	vld [tilespmem:s30+$0x2000]  }
0x5a: {  	v4 =	vld [tilespmem:s30+$0x2080];
	_ =	sdelay $0x3  }
0x5b: {  	v3 =	vmul.f32 $6.400000000e+01, v3  }
0x5c: {  	v4 =	vmul.f32 $6.400000000e+01, v4  }
0x5d: {  	v3 =	vtrunc.f32 v3  }
0x5e: {  	v3 =	vcvt.f32.s32 v3;
	v4 =	vtrunc.f32 v4  }
0x5f: {  	v4 =	vcvt.f32.s32 v4  }
0x60: {  	vm0 =	vgt.s32 v3, $0x0  }
0x61: {  	v3 =	vnsel vm0, $0x0, v3;
	vm0 =	vgt.s32 v4, $0x0  }
.Ltmp6:
0x62: {  	v3 =	vmin.u32 v3, $0x3F;
	v4 =	vnsel vm0, $0x0, v4;
	(pc) =	sbr.rel @p0 .LBB2_6-.Ltmp6, $4  }
0x63: {  	s31 =	sadd.s32 $0x10, s31;
	v4 =	vmin.u32 v4, $0x3F;
	v3 =	vshll.u32 v3, $0x6  }
0x64: {  	p1 =	slt.u32 s31, $0xC350;
	v3 =	vor.u32 v4, v3  }
0x65: {  	v3 =	vpsel !p1, $0x1000, v3  }
0x66: {  	[tilespmem:v2+s30+$0x0 ss:$0x1] =	vst.idx.msk $0xffff, v3;
	s30 =	sshra.s32 s0, $0x2;
	s0 =	sadd.s32 $0x40, s0  }
0x67: {  	v3 =	vld [tilespmem:s30+$0x2000]  }
0x68: {  	v4 =	vld [tilespmem:s30+$0x2080];
	_ =	sdelay $0x3  }
0x69: {  	v3 =	vmul.f32 $6.400000000e+01, v3  }
0x6a: {  	v4 =	vmul.f32 $6.400000000e+01, v4  }
0x6b: {  	v3 =	vtrunc.f32 v3  }
0x6c: {  	v4 =	vtrunc.f32 v4;
	v3 =	vcvt.f32.s32 v3  }
0x6d: {  	v4 =	vcvt.f32.s32 v4  }
0x6e: {  	vm0 =	vgt.s32 v3, $0x0  }
0x6f: {  	vm15 =	vgt.s32 v4, $0x0;
	v3 =	vnsel vm0, $0x0, v3  }
0x70: {  	v4 =	vnsel vm15, $0x0, v4;
	v3 =	vmin.u32 v3, $0x3F  }
.Ltmp7:
0x71: {  	s0 =	sadd.s32 $0x10, s31;
	v4 =	vmin.u32 v4, $0x3F;
	v3 =	vshll.u32 v3, $0x6;
	(pc) =	sbr.rel .LBB2_8-.Ltmp7, $4  }
0x72: {  	p0 =	slt.u32 s0, $0xC350;
	v3 =	vor.u32 v4, v3  }
0x73: {  	v3 =	vpsel !p0, $0x1000, v3  }
0x74: {  	[tilespmem:v2+s30+$0x0 ss:$0x1] =	vst.idx.msk $0xffff, v3  }
0x75: {  	[tilespmem:s29+$0x2170] =	vst v1  }
.LBB2_9:
.Ltmp8:
0x76: {  	(pc) =	sbr.rel .LBB2_10-.Ltmp8, $3  }
0x77: {  	_ =	sdelay $0x1  }
0x78: {  	[bflag:$0x0] =	sbarrier.arrive $0xFFFF  }
0x79: {  	s25 =	simm.s32 $0x0;
	s26 =	smov.u32 s17  }
.LBB2_17:
0x7a: {  	s0 =	sadd.s32 s10, s25  }
0x7b: {  	[bflag:$0x0] =	sbarrier.arrive $0xFFFF;
	s12 =	sshll.u32 s4, $0x6;
	s0 =	sshll.u32 s0, $0x10  }
0x7c: {  	s28 =	sshrl.u32 s8, $0x3;
	s12 =	sor.u32 $0x1C01, s12;
	s0 =	sadd.s32 s0, s11  }
0x7d: {  	[hbm:s0], [sflag:s12] =	dma.local [spmem:s28], $0x1000  }
0x7e: {  	_ =	swait.ge [sflag:s18], $0x1000  }
0x7f: {  	[sflag:s18] =	ssyncset.done $0x0  }
0x80: {  	[sflag:s18] =	ssyncadd.s32 $0xFFFFF000  }
0x81: {  	[spmem:s8] =	stream.linear.scatter [tilespmem:s2], [sflag:$0x1], $0x2000, $0x38;
	[tilespmem:$0xF140] =	vst v63  }
0x82: {  	_ =	swait.ge [sflag:s18], $0x2000  }
0x83: {  	[sflag:s18] =	ssyncset.done $0x0  }
0x84: {  	[sflag:s18] =	ssyncadd.s32 $0xFFFFE000  }
0x85: {  	[spmem:s13] =	stream.linear.scatter [tilespmem:s2], [sflag:$0x1], $0x2000, $0x38;
	[tilespmem:$0xF140] =	vst v63  }
0x86: {  	_ =	swait.ge [sflag:s18], $0x2000  }
0x87: {  	[sflag:s18] =	ssyncset.done $0x0  }
0x88: {  	[sflag:s18] =	ssyncadd.s32 $0xFFFFE000  }
0x89: {  	[spmem:s14] =	stream.linear.scatter [tilespmem:s2], [sflag:$0x1], $0x2000, $0x38;
	[tilespmem:$0xF140] =	vst v63  }
0x8a: {  	_ =	swait.ge [sflag:s18], $0x2000  }
0x8b: {  	s25 =	sadd.s32 $0x1, s25;
	[sflag:s18] =	ssyncset.done $0x0  }
0x8c: {  	p0 =	sne.s32 s25, $0x3;
	[sflag:s18] =	ssyncadd.s32 $0xFFFFE000  }
0x8d: {  	[spmem:s15] =	stream.linear.scatter [tilespmem:s2], [sflag:$0x1], $0x2000, $0x38;
	[tilespmem:$0xF140] =	vst v63  }
.Ltmp9:
0x8e: {  	_ =	swait.ge [sflag:s18], $0x2000;
	(pc) =	sbr.rel @!p0 .LBB2_18-.Ltmp9, $4  }
0x8f: {  	[sflag:s18] =	ssyncset.done $0x0  }
0x90: {  	[sflag:s18] =	ssyncadd.s32 $0xFFFFE000  }
0x91: {  	[bflag:$0x0] =	sbarrier.arrive $0xFFFF  }
0x92: {  	s26 =	sadd.s32 $0xC3500, s26  }
.LBB2_10:
0x93: {  	s0 =	smul.u32 $0x61A800, s25  }
.Ltmp10:
0x94: {  	_ = 	snop;
	(pc) =	sbr.rel .LBB2_11-.Ltmp10, $4  }
0x95: {  	_ = 	snop  }
0x96: {  	s0 =	sadd.s32 s0, s9  }
0x97: {  	s28 =	simm.s32 $0xFFFFFE40;
	s0 =	sshrl.u32 s0, $0x3  }
0x98: {  	s29 =	simm.s32 $0x2100;
	s30 =	smov.u32 s26;
	s0 =	sadd.s32 s6, s0  }
.LBB2_12:
0x99: {  	[tilespmem:s21], [sflag:$0x2] =	stream.linear.gather [hbm4b:s30+s2], $0x3800, $0x38;
	[tilespmem:$0xF140] =	vst v63  }
0x9a: {  	_ =	swait.ge [sflag:s22], $0x3800  }
0x9b: {  	[sflag:s22] =	ssyncset.done $0x0  }
0x9c: {  	[sflag:s22] =	ssyncadd.s32 $0xFFFFC800  }
.LBB2_15:
0x9d: {  	[spmem:s1] =	stream.indirect.scatter.add.f32 [tilespmem:s21], [sflag:$0x1], $0x80, s29, s23, $0xb8;
	[tilespmem:$0xF140] =	vst v63  }
0x9e: {  	_ =	swait.ge [sflag:s18], $0x4000  }
0x9f: {  	[sflag:s18] =	ssyncset.done $0x0  }
0xa0: {  	[sflag:s18] =	ssyncadd.s32 $0xFFFFC000  }
.LBB2_16:
0xa1: {  	s28 =	sadd.s32 $0x10, s28  }
0xa2: {  	p0 =	sne.s32 s28, $0x0  }
.Ltmp11:
0xa3: {  	_ = 	snop;
	(pc) =	sbr.rel @!p0 .LBB2_17-.Ltmp11, $2  }
0xa4: {  	_ =	sdelay $0x2  }
0xa5: {  	s29 =	sadd.s32 $0x80, s29;
	s30 =	sadd.s32 $0x7000, s30  }
.LBB2_11:
0xa6: {  	s31 =	sadd.s32 s28, s4  }
0xa7: {  	s12 =	sadd.s32 $0x1C0, s31  }
0xa8: {  	p0 =	sgt.u32 s12, $0x1BD  }
.Ltmp12:
0xa9: {  	_ = 	snop;
	(pc) =	sbr.rel @!p0 .LBB2_12-.Ltmp12, $1  }
0xaa: {  	_ =	sdelay $0x3  }
0xab: {  	p0 =	sne.s32 s31, $0xFFFFFFFE  }
.Ltmp13:
0xac: {  	_ = 	snop;
	(pc) =	sbr.rel @p0 .LBB2_16-.Ltmp13, $1  }
0xad: {  	_ =	sdelay $0x3  }
.Ltmp14:
0xae: {  	(pc) =	sbr.rel .LBB2_15-.Ltmp14, $4  }
0xaf: {  	[tilespmem:s21], [sflag:$0x2] =	stream.linear.gather [hbm4b:s0+s2], $0x1800, $0x38;
	[tilespmem:$0xF140] =	vst v63  }
0xb0: {  	_ =	swait.ge [sflag:s22], $0x1800  }
0xb1: {  	[sflag:s22] =	ssyncset.done $0x0  }
0xb2: {  	[sflag:s22] =	ssyncadd.s32 $0xFFFFE800  }
.LBB2_19:
0xb3: {  	_ =	sfence.sel $0x180000  }
0xb4: {  	[bflag:$0x0] =	sbarrier.arrive $0xFFFF  }
0xb5: {  	_ =	strace $0x90000047  }
0xb6: {  	[bflag:$0x2] =	sbarrier.arrive $0xFFFF  }
0xb7: {  	p0 =	sne.s32 s4, $0x0;
	s0 =	rddreg [dreg:$0x3]  }
0xb8: {  	s0 =	sadd.s32 @!p0 $0x100000, s0  }
0xb9: {  	[sflag:s0] =	ssyncadd.tile.s32 @!p0 $0x1;
	_ =	shalt  }
.Lfunc_end2:
_tile_overlayer_lowered:
.L_overlay_start_2:
0xba: {  	(tag) =	ssettag $0x2  }
0xbb: {  	s0 =	rddreg [dreg:$0x0];
	s2 =	stileid.u32  }
0xbc: {  	s1 =	rddreg [dreg:$0x1];
	p0 =	sne.s32 s2, $0x0  }
0xbd: {  	s3 =	rddreg [dreg:$0x2];
	[bflag:$0x3] =	sbarrier.arrive $0xFFFF;
	s2 =	simm.s32 @!p0 $0x1C01  }
0xbe: {  	[timem:s3], [sflag:s2] =	dma.local @!p0 [hbm:s0], s1  }
0xbf: {  	s0 =	simm.s32 @!p0 $0x1  }
0xc0: {  	_ =	swait.ge @!p0 [sflag:s0], s1  }
0xc1: {  	s1 =	ssub.s32 @!p0 $0x0, s1;
	[sflag:s0] =	ssyncset.done @!p0 $0x0  }
0xc2: {  	[sflag:s0] =	ssyncadd.s32 @!p0 s1  }
0xc3: {  	[bflag:$0x3] =	sbarrier.arrive $0xFFFF  }
0xc4: {  	_ =	shalt  }

</sc_bundles>
